<compile_context>
chip_gen: v7x
topology: tpu7x:2x2x1
jax: 0.10.2.dev20260603
libtpu: 0.0.44.dev20260713+nightly
codegen_flags: <defaults>
</compile_context>

<pallas_src>
import jax
import jax.numpy as jnp
from jax import lax
from jax.experimental import pallas as pl
from jax.experimental.pallas import tpu as pltpu
from jax.experimental.pallas import tpu_sc as plsc

_N = 100000
_H = 128
_G = 512
_BLK = 10240
_NPAD = 102400

_NS = 16
_CHUNK = 6400
_LAST = _N - (_NS - 1) * _CHUNK
_STRIDE = 513


def _scores_body(h_ref, p_ref, w_ref, o_ref):
    dn = (((1,), (1,)), ((), ()))
    s = (lax.dot_general(w_ref[:, :_H], h_ref[...], dn,
                         preferred_element_type=jnp.float32)
         + lax.dot_general(w_ref[:, _H:], p_ref[...], dn,
                           preferred_element_type=jnp.float32))
    i = pl.program_id(0)
    col = i * _BLK + lax.broadcasted_iota(jnp.int32, (1, _BLK), 1)
    o_ref[...] = jnp.where(col < _N, s, 0.0)


def _node_scores(h, p, W):
    return pl.pallas_call(
        _scores_body,
        grid=(_NPAD // _BLK,),
        in_specs=[
            pl.BlockSpec((_BLK, _H), lambda i: (i, 0)),
            pl.BlockSpec((_BLK, _H), lambda i: (i, 0)),
            pl.BlockSpec((1, 2 * _H), lambda i: (0, 0)),
        ],
        out_specs=pl.BlockSpec((1, _BLK), lambda i: (0, i)),
        out_shape=jax.ShapeDtypeStruct((1, _NPAD), jnp.float32),
    )(h, p, W)


def _make_seg_body(chunk, last):
    it_full = chunk // 16
    it_last = last // 16

    def body(s_hbm, ids_hbm, b_hbm, out_hbm, sv, iv, acc, accg, pv,
             shared, sem_s, sem_i):
        sid = lax.axis_index("s")
        sbase = sid * chunk
        ibase = sid * chunk
        is_last = sid == _NS - 1

        if last == chunk:
            pltpu.async_copy(s_hbm.at[pl.ds(sbase, chunk)], sv, sem_s)
            pltpu.async_copy(ids_hbm.at[pl.ds(ibase, chunk)], iv, sem_i)
        else:
            @pl.when(jnp.logical_not(is_last))
            def _():
                pltpu.async_copy(s_hbm.at[pl.ds(sbase, chunk)], sv, sem_s)
                pltpu.async_copy(ids_hbm.at[pl.ds(ibase, chunk)], iv, sem_i)

            @pl.when(is_last)
            def _():
                pltpu.async_copy(s_hbm.at[pl.ds(sbase, last)],
                                 sv.at[pl.ds(0, last)], sem_s)
                pltpu.async_copy(ids_hbm.at[pl.ds(ibase, last)],
                                 iv.at[pl.ds(0, last)], sem_i)

        zeros16 = jnp.zeros((16,), jnp.float32)

        def _zero(i, c):
            acc[pl.ds(i * 16, 16)] = zeros16
            return c

        lax.fori_loop(0, _STRIDE, _zero, 0, unroll=16)

        if last == chunk:
            pltpu.make_async_copy(s_hbm.at[pl.ds(sbase, chunk)], sv,
                                  sem_s).wait()
            pltpu.make_async_copy(ids_hbm.at[pl.ds(ibase, chunk)], iv,
                                  sem_i).wait()
        else:
            @pl.when(jnp.logical_not(is_last))
            def _():
                pltpu.make_async_copy(s_hbm.at[pl.ds(sbase, chunk)], sv,
                                      sem_s).wait()
                pltpu.make_async_copy(ids_hbm.at[pl.ds(ibase, chunk)], iv,
                                      sem_i).wait()

            @pl.when(is_last)
            def _():
                pltpu.make_async_copy(s_hbm.at[pl.ds(sbase, last)],
                                      sv.at[pl.ds(0, last)], sem_s).wait()
                pltpu.make_async_copy(ids_hbm.at[pl.ds(ibase, last)],
                                      iv.at[pl.ds(0, last)], sem_i).wait()

        lane_off = lax.broadcasted_iota(jnp.int32, (16,), 0) * _STRIDE

        def _scat(i, c):
            idx = iv[pl.ds(i * 16, 16)] + lane_off
            vals = sv[pl.ds(i * 16, 16)]
            plsc.addupdate_scatter(acc, [idx], vals)
            return c

        if last == chunk:
            lax.fori_loop(0, it_full, _scat, 0, unroll=8)
        else:
            @pl.when(jnp.logical_not(is_last))
            def _():
                lax.fori_loop(0, it_full, _scat, 0, unroll=8)

            @pl.when(is_last)
            def _():
                lax.fori_loop(0, it_last, _scat, 0, unroll=8)

        def _red(j, c):
            v = acc[pl.ds(j * 16, 16)]
            for l in range(1, 16):
                v = v + acc[pl.ds(l * _STRIDE + j * 16, 16)]
            accg[pl.ds(j * 16, 16)] = v
            return c

        lax.fori_loop(0, _G // 16, _red, 0)

        pltpu.sync_copy(accg, shared.at[pl.ds(sid * _G, _G)])
        plsc.subcore_barrier()

        t32 = sid * 32
        copies = [pltpu.make_async_copy(
            shared.at[pl.ds(l * _G + t32, 32)],
            acc.at[pl.ds(l * 32, 32)], sem_s) for l in range(16)]
        for c in copies:
            c.start()
        pltpu.sync_copy(b_hbm, pv.at[pl.ds(0, 1)])
        for c in copies:
            c.wait()
        bias = pv[pl.ds(0, 16)][0]
        for j in range(2):
            v = jnp.zeros((16,), jnp.float32) + bias
            for l in range(16):
                v = v + acc[pl.ds(l * 32 + j * 16, 16)]
            accg[pl.ds(j * 16, 16)] = v
        pltpu.sync_copy(accg.at[pl.ds(0, 32)], out_hbm.at[pl.ds(t32, 32)])

    return body


def _make_seg(chunk, last):
    mesh = plsc.VectorSubcoreMesh(
        core_axis_name="c", subcore_axis_name="s", num_cores=1)
    return pl.kernel(
        _make_seg_body(chunk, last),
        out_type=jax.ShapeDtypeStruct((_G,), jnp.float32),
        mesh=mesh,
        scratch_types=[
            pltpu.VMEM((chunk,), jnp.float32),
            pltpu.VMEM((chunk,), jnp.int32),
            pltpu.VMEM((16 * _STRIDE,), jnp.float32),
            pltpu.VMEM((_G,), jnp.float32),
            pltpu.VMEM((16,), jnp.float32),
            pltpu.VMEM_SHARED((16 * _G,), jnp.float32),
            pltpu.SemaphoreType.DMA,
            pltpu.SemaphoreType.DMA,
        ],
        compiler_params=pltpu.CompilerParams(needs_layout_passes=False),
    )


def kernel(h, p, h_batch, W, b):
    ids = h_batch.astype(jnp.int32)
    s = _node_scores(h, p, W).reshape(_NPAD)
    return _make_seg(_CHUNK, _LAST)(s, ids, b)

# --- scband reference (transcript-rebuilt; emitter-appended) ---
"""Pipeline reference for scband-lspe-mpgnnhead-51170240364734 (READ-ONLY COPY).

The authoritative reference and input builder live on the scoring server;
editing this copy changes nothing except your own understanding.
"""

import jax, jax.numpy as jnp
import numpy as np

NUM_GRAPHS = 512
N_NODES = 100000
NUM_HIDDEN = 128

def setup_inputs(seed: int = 0) -> dict:
    key = jax.random.key(seed)
    k1, k2, k3, k4, k5 = jax.random.split(key, 5)
    h = jax.random.normal(k1, (N_NODES, NUM_HIDDEN), dtype=jnp.float32)
    p = jax.random.normal(k2, (N_NODES, NUM_HIDDEN), dtype=jnp.float32)
    h_batch = jnp.sort(jax.random.randint(k3, (N_NODES,), 0, NUM_GRAPHS, dtype=jnp.int64))
    # nn.Linear(2*num_hidden, 1) parameters
    bound = 1.0 / np.sqrt(2 * NUM_HIDDEN)
    W = jax.random.uniform(k4, (1, 2 * NUM_HIDDEN), minval=-bound, maxval=bound, dtype=jnp.float32)
    b = jax.random.uniform(k5, (1,), minval=-bound, maxval=bound, dtype=jnp.float32)
    return {"h": h, "p": p, "h_batch": h_batch, "W": W, "b": b}

def reference(h, p, h_batch, W, b):
    # global_add_pool == segment sum over graph ids
    h_pool = jax.ops.segment_sum(h, h_batch, num_segments=NUM_GRAPHS)
    p_pool = jax.ops.segment_sum(p, h_batch, num_segments=NUM_GRAPHS)
    graph_reprs = jnp.concatenate((h_pool, p_pool), axis=1)
    final_prediction = graph_reprs @ W.T + b
    return final_prediction.squeeze(1)

if __name__ == "__main__":
    import jax
    _d = setup_inputs()
    print(jax.jit(kernel)(*tuple(_d.values())))

</pallas_src>

<mosaic_0001>
#map = affine_map<(d0, d1) -> (0)>
module attributes {stable_mosaic.version = 14 : i64} {
  func.func @body(%arg0: i32, %arg1: i32, %arg2: memref<102400xf32, #tpu.memory_space<hbm>>, %arg3: memref<100000xi32, #tpu.memory_space<hbm>>, %arg4: memref<1xf32, #tpu.memory_space<hbm>>, %arg5: memref<512xf32, #tpu.memory_space<hbm>>, %arg6: memref<6400xf32, #tpu.memory_space<vmem>>, %arg7: memref<6400xi32, #tpu.memory_space<vmem>>, %arg8: memref<8208xf32, #tpu.memory_space<vmem>>, %arg9: memref<512xf32, #tpu.memory_space<vmem>>, %arg10: memref<16xf32, #tpu.memory_space<vmem>>, %arg11: memref<8192xf32, #tpu.memory_space<vmem_shared>>, %arg12: memref<!tpu.dma_semaphore, #tpu.memory_space<semaphore_mem>>, %arg13: memref<!tpu.dma_semaphore, #tpu.memory_space<semaphore_mem>>) attributes {dimension_semantics = [#tpu.dimension_semantics<core_parallel>, #tpu.dimension_semantics<subcore_parallel>], iteration_bounds = array<i64: 1, 16>, scalar_prefetch = 0 : i64, scratch_operands = 8 : i64, tpu.core_type = #tpu.core_type<sc_vector_subcore>, window_params = [{transform_indices = #map}, {transform_indices = #map}, {transform_indices = #map}, {transform_indices = #map}]} {
    %mul3A = arith.constant 6400 : i32
    %mul3A_0 = arith.muli %arg1, %mul3A : i32
    %mul3A_1 = arith.constant 6400 : i32
    %mul3A_2 = arith.muli %arg1, %mul3A_1 : i32
    %eq3A = arith.constant 15 : i32
    %eq3A_3 = arith.cmpi eq, %arg1, %eq3A : i32
    %not3A = arith.constant true
    %not3A_4 = arith.xori %eq3A_3, %not3A : i1
    %convert_element_type3A = arith.extui %not3A_4 : i1 to i32
    %cond3A = arith.constant 0 : i32
    %cond3A_5 = arith.cmpi ne, %convert_element_type3A, %cond3A : i32
    scf.if %cond3A_5 {
      %dma_start3A_379 = tpu.memref_slice %arg2[%mul3A_0] : memref<102400xf32, #tpu.memory_space<hbm>> -> memref<6400xf32, #tpu.memory_space<hbm>>
      %dma_start3A_380 = tpu.memref_slice %arg2[%mul3A_0] : memref<102400xf32, #tpu.memory_space<hbm>> -> memref<6400xf32, #tpu.memory_space<hbm>>
      tpu.enqueue_dma source(%dma_start3A_380 : memref<6400xf32, #tpu.memory_space<hbm>>) target(%arg6 : memref<6400xf32, #tpu.memory_space<vmem>>) target_semaphore(%arg12 : memref<!tpu.dma_semaphore, #tpu.memory_space<semaphore_mem>>)
      %dma_start3A_381 = tpu.memref_slice %arg3[%mul3A_2] : memref<100000xi32, #tpu.memory_space<hbm>> -> memref<6400xi32, #tpu.memory_space<hbm>>
      %dma_start3A_382 = tpu.memref_slice %arg3[%mul3A_2] : memref<100000xi32, #tpu.memory_space<hbm>> -> memref<6400xi32, #tpu.memory_space<hbm>>
      tpu.enqueue_dma source(%dma_start3A_382 : memref<6400xi32, #tpu.memory_space<hbm>>) target(%arg7 : memref<6400xi32, #tpu.memory_space<vmem>>) target_semaphore(%arg13 : memref<!tpu.dma_semaphore, #tpu.memory_space<semaphore_mem>>)
    } else {
    }
    %convert_element_type3A_6 = arith.extui %eq3A_3 : i1 to i32
    %cond3A_7 = arith.constant 0 : i32
    %cond3A_8 = arith.cmpi ne, %convert_element_type3A_6, %cond3A_7 : i32
    scf.if %cond3A_8 {
      %dma_start3A_379 = arith.constant 0 : i32
      %dma_start3A_380 = tpu.memref_slice %arg6[%dma_start3A_379] : memref<6400xf32, #tpu.memory_space<vmem>> -> memref<4000xf32, #tpu.memory_space<vmem>>
      %dma_start3A_381 = tpu.memref_slice %arg2[%mul3A_0] : memref<102400xf32, #tpu.memory_space<hbm>> -> memref<4000xf32, #tpu.memory_space<hbm>>
      %dma_start3A_382 = arith.constant 0 : i32
      %dma_start3A_383 = tpu.memref_slice %arg6[%dma_start3A_382] : memref<6400xf32, #tpu.memory_space<vmem>> -> memref<4000xf32, #tpu.memory_space<vmem>>
      %dma_start3A_384 = tpu.memref_slice %arg2[%mul3A_0] : memref<102400xf32, #tpu.memory_space<hbm>> -> memref<4000xf32, #tpu.memory_space<hbm>>
      tpu.enqueue_dma source(%dma_start3A_384 : memref<4000xf32, #tpu.memory_space<hbm>>) target(%dma_start3A_383 : memref<4000xf32, #tpu.memory_space<vmem>>) target_semaphore(%arg12 : memref<!tpu.dma_semaphore, #tpu.memory_space<semaphore_mem>>)
      %dma_start3A_385 = arith.constant 0 : i32
      %dma_start3A_386 = tpu.memref_slice %arg7[%dma_start3A_385] : memref<6400xi32, #tpu.memory_space<vmem>> -> memref<4000xi32, #tpu.memory_space<vmem>>
      %dma_start3A_387 = tpu.memref_slice %arg3[%mul3A_2] : memref<100000xi32, #tpu.memory_space<hbm>> -> memref<4000xi32, #tpu.memory_space<hbm>>
      %dma_start3A_388 = arith.constant 0 : i32
      %dma_start3A_389 = tpu.memref_slice %arg7[%dma_start3A_388] : memref<6400xi32, #tpu.memory_space<vmem>> -> memref<4000xi32, #tpu.memory_space<vmem>>
      %dma_start3A_390 = tpu.memref_slice %arg3[%mul3A_2] : memref<100000xi32, #tpu.memory_space<hbm>> -> memref<4000xi32, #tpu.memory_space<hbm>>
      tpu.enqueue_dma source(%dma_start3A_390 : memref<4000xi32, #tpu.memory_space<hbm>>) target(%dma_start3A_389 : memref<4000xi32, #tpu.memory_space<vmem>>) target_semaphore(%arg13 : memref<!tpu.dma_semaphore, #tpu.memory_space<semaphore_mem>>)
    } else {
    }
    %broadcast_in_dim3A = arith.constant 0.000000e+00 : f32
    %broadcast_in_dim3A_9 = vector.broadcast %broadcast_in_dim3A : f32 to vector<16xf32>
    %scan3A = arith.constant 0 : i32
    %scan3A_10 = arith.constant 0 : i32
    %scan3A_11 = arith.constant 512 : i32
    %scan3A_12 = arith.addi %scan3A_10, %scan3A_11 : i32
    %scan3A_13 = arith.constant 16 : i32
    scf.for %scan3A_379 = %scan3A_10 to %scan3A_12 step %scan3A_13  : i32 {
      %mul3A_380 = arith.constant 16 : i32
      %mul3A_381 = arith.muli %scan3A_379, %mul3A_380 : i32
      %swap3A_382 = arith.index_cast %mul3A_381 : i32 to index
      %swap3A_383 = tpu.vector_load %arg8[%swap3A_382] {strides = array<i32>} : memref<8208xf32, #tpu.memory_space<vmem>>, vector<16xf32>,
      tpu.vector_store %arg8[%swap3A_382], %broadcast_in_dim3A_9 {strides = array<i32>} : memref<8208xf32, #tpu.memory_space<vmem>>, vector<16xf32>,
      %scan3A_384 = arith.constant 1 : i32
      %scan3A_385 = arith.addi %scan3A_379, %scan3A_384 : i32
      %mul3A_386 = arith.constant 16 : i32
      %mul3A_387 = arith.muli %scan3A_385, %mul3A_386 : i32
      %swap3A_388 = arith.index_cast %mul3A_387 : i32 to index
      %swap3A_389 = tpu.vector_load %arg8[%swap3A_388] {strides = array<i32>} : memref<8208xf32, #tpu.memory_space<vmem>>, vector<16xf32>,
      tpu.vector_store %arg8[%swap3A_388], %broadcast_in_dim3A_9 {strides = array<i32>} : memref<8208xf32, #tpu.memory_space<vmem>>, vector<16xf32>,
      %scan3A_390 = arith.constant 2 : i32
      %scan3A_391 = arith.addi %scan3A_379, %scan3A_390 : i32
      %mul3A_392 = arith.constant 16 : i32
      %mul3A_393 = arith.muli %scan3A_391, %mul3A_392 : i32
      %swap3A_394 = arith.index_cast %mul3A_393 : i32 to index
      %swap3A_395 = tpu.vector_load %arg8[%swap3A_394] {strides = array<i32>} : memref<8208xf32, #tpu.memory_space<vmem>>, vector<16xf32>,
      tpu.vector_store %arg8[%swap3A_394], %broadcast_in_dim3A_9 {strides = array<i32>} : memref<8208xf32, #tpu.memory_space<vmem>>, vector<16xf32>,
      %scan3A_396 = arith.constant 3 : i32
      %scan3A_397 = arith.addi %scan3A_379, %scan3A_396 : i32
      %mul3A_398 = arith.constant 16 : i32
      %mul3A_399 = arith.muli %scan3A_397, %mul3A_398 : i32
      %swap3A_400 = arith.index_cast %mul3A_399 : i32 to index
      %swap3A_401 = tpu.vector_load %arg8[%swap3A_400] {strides = array<i32>} : memref<8208xf32, #tpu.memory_space<vmem>>, vector<16xf32>,
      tpu.vector_store %arg8[%swap3A_400], %broadcast_in_dim3A_9 {strides = array<i32>} : memref<8208xf32, #tpu.memory_space<vmem>>, vector<16xf32>,
      %scan3A_402 = arith.constant 4 : i32
      %scan3A_403 = arith.addi %scan3A_379, %scan3A_402 : i32
      %mul3A_404 = arith.constant 16 : i32
      %mul3A_405 = arith.muli %scan3A_403, %mul3A_404 : i32
      %swap3A_406 = arith.index_cast %mul3A_405 : i32 to index
      %swap3A_407 = tpu.vector_load %arg8[%swap3A_406] {strides = array<i32>} : memref<8208xf32, #tpu.memory_space<vmem>>, vector<16xf32>,
      tpu.vector_store %arg8[%swap3A_406], %broadcast_in_dim3A_9 {strides = array<i32>} : memref<8208xf32, #tpu.memory_space<vmem>>, vector<16xf32>,
      %scan3A_408 = arith.constant 5 : i32
      %scan3A_409 = arith.addi %scan3A_379, %scan3A_408 : i32
      %mul3A_410 = arith.constant 16 : i32
      %mul3A_411 = arith.muli %scan3A_409, %mul3A_410 : i32
      %swap3A_412 = arith.index_cast %mul3A_411 : i32 to index
      %swap3A_413 = tpu.vector_load %arg8[%swap3A_412] {strides = array<i32>} : memref<8208xf32, #tpu.memory_space<vmem>>, vector<16xf32>,
      tpu.vector_store %arg8[%swap3A_412], %broadcast_in_dim3A_9 {strides = array<i32>} : memref<8208xf32, #tpu.memory_space<vmem>>, vector<16xf32>,
      %scan3A_414 = arith.constant 6 : i32
      %scan3A_415 = arith.addi %scan3A_379, %scan3A_414 : i32
      %mul3A_416 = arith.constant 16 : i32
      %mul3A_417 = arith.muli %scan3A_415, %mul3A_416 : i32
      %swap3A_418 = arith.index_cast %mul3A_417 : i32 to index
      %swap3A_419 = tpu.vector_load %arg8[%swap3A_418] {strides = array<i32>} : memref<8208xf32, #tpu.memory_space<vmem>>, vector<16xf32>,
      tpu.vector_store %arg8[%swap3A_418], %broadcast_in_dim3A_9 {strides = array<i32>} : memref<8208xf32, #tpu.memory_space<vmem>>, vector<16xf32>,
      %scan3A_420 = arith.constant 7 : i32
      %scan3A_421 = arith.addi %scan3A_379, %scan3A_420 : i32
      %mul3A_422 = arith.constant 16 : i32
      %mul3A_423 = arith.muli %scan3A_421, %mul3A_422 : i32
      %swap3A_424 = arith.index_cast %mul3A_423 : i32 to index
      %swap3A_425 = tpu.vector_load %arg8[%swap3A_424] {strides = array<i32>} : memref<8208xf32, #tpu.memory_space<vmem>>, vector<16xf32>,
      tpu.vector_store %arg8[%swap3A_424], %broadcast_in_dim3A_9 {strides = array<i32>} : memref<8208xf32, #tpu.memory_space<vmem>>, vector<16xf32>,
      %scan3A_426 = arith.constant 8 : i32
      %scan3A_427 = arith.addi %scan3A_379, %scan3A_426 : i32
      %mul3A_428 = arith.constant 16 : i32
      %mul3A_429 = arith.muli %scan3A_427, %mul3A_428 : i32
      %swap3A_430 = arith.index_cast %mul3A_429 : i32 to index
      %swap3A_431 = tpu.vector_load %arg8[%swap3A_430] {strides = array<i32>} : memref<8208xf32, #tpu.memory_space<vmem>>, vector<16xf32>,
      tpu.vector_store %arg8[%swap3A_430], %broadcast_in_dim3A_9 {strides = array<i32>} : memref<8208xf32, #tpu.memory_space<vmem>>, vector<16xf32>,
      %scan3A_432 = arith.constant 9 : i32
      %scan3A_433 = arith.addi %scan3A_379, %scan3A_432 : i32
      %mul3A_434 = arith.constant 16 : i32
      %mul3A_435 = arith.muli %scan3A_433, %mul3A_434 : i32
      %swap3A_436 = arith.index_cast %mul3A_435 : i32 to index
      %swap3A_437 = tpu.vector_load %arg8[%swap3A_436] {strides = array<i32>} : memref<8208xf32, #tpu.memory_space<vmem>>, vector<16xf32>,
      tpu.vector_store %arg8[%swap3A_436], %broadcast_in_dim3A_9 {strides = array<i32>} : memref<8208xf32, #tpu.memory_space<vmem>>, vector<16xf32>,
      %scan3A_438 = arith.constant 10 : i32
      %scan3A_439 = arith.addi %scan3A_379, %scan3A_438 : i32
      %mul3A_440 = arith.constant 16 : i32
      %mul3A_441 = arith.muli %scan3A_439, %mul3A_440 : i32
      %swap3A_442 = arith.index_cast %mul3A_441 : i32 to index
      %swap3A_443 = tpu.vector_load %arg8[%swap3A_442] {strides = array<i32>} : memref<8208xf32, #tpu.memory_space<vmem>>, vector<16xf32>,
      tpu.vector_store %arg8[%swap3A_442], %broadcast_in_dim3A_9 {strides = array<i32>} : memref<8208xf32, #tpu.memory_space<vmem>>, vector<16xf32>,
      %scan3A_444 = arith.constant 11 : i32
      %scan3A_445 = arith.addi %scan3A_379, %scan3A_444 : i32
      %mul3A_446 = arith.constant 16 : i32
      %mul3A_447 = arith.muli %scan3A_445, %mul3A_446 : i32
      %swap3A_448 = arith.index_cast %mul3A_447 : i32 to index
      %swap3A_449 = tpu.vector_load %arg8[%swap3A_448] {strides = array<i32>} : memref<8208xf32, #tpu.memory_space<vmem>>, vector<16xf32>,
      tpu.vector_store %arg8[%swap3A_448], %broadcast_in_dim3A_9 {strides = array<i32>} : memref<8208xf32, #tpu.memory_space<vmem>>, vector<16xf32>,
      %scan3A_450 = arith.constant 12 : i32
      %scan3A_451 = arith.addi %scan3A_379, %scan3A_450 : i32
      %mul3A_452 = arith.constant 16 : i32
      %mul3A_453 = arith.muli %scan3A_451, %mul3A_452 : i32
      %swap3A_454 = arith.index_cast %mul3A_453 : i32 to index
      %swap3A_455 = tpu.vector_load %arg8[%swap3A_454] {strides = array<i32>} : memref<8208xf32, #tpu.memory_space<vmem>>, vector<16xf32>,
      tpu.vector_store %arg8[%swap3A_454], %broadcast_in_dim3A_9 {strides = array<i32>} : memref<8208xf32, #tpu.memory_space<vmem>>, vector<16xf32>,
      %scan3A_456 = arith.constant 13 : i32
      %scan3A_457 = arith.addi %scan3A_379, %scan3A_456 : i32
      %mul3A_458 = arith.constant 16 : i32
      %mul3A_459 = arith.muli %scan3A_457, %mul3A_458 : i32
      %swap3A_460 = arith.index_cast %mul3A_459 : i32 to index
      %swap3A_461 = tpu.vector_load %arg8[%swap3A_460] {strides = array<i32>} : memref<8208xf32, #tpu.memory_space<vmem>>, vector<16xf32>,
      tpu.vector_store %arg8[%swap3A_460], %broadcast_in_dim3A_9 {strides = array<i32>} : memref<8208xf32, #tpu.memory_space<vmem>>, vector<16xf32>,
      %scan3A_462 = arith.constant 14 : i32
      %scan3A_463 = arith.addi %scan3A_379, %scan3A_462 : i32
      %mul3A_464 = arith.constant 16 : i32
      %mul3A_465 = arith.muli %scan3A_463, %mul3A_464 : i32
      %swap3A_466 = arith.index_cast %mul3A_465 : i32 to index
      %swap3A_467 = tpu.vector_load %arg8[%swap3A_466] {strides = array<i32>} : memref<8208xf32, #tpu.memory_space<vmem>>, vector<16xf32>,
      tpu.vector_store %arg8[%swap3A_466], %broadcast_in_dim3A_9 {strides = array<i32>} : memref<8208xf32, #tpu.memory_space<vmem>>, vector<16xf32>,
      %scan3A_468 = arith.constant 15 : i32
      %scan3A_469 = arith.addi %scan3A_379, %scan3A_468 : i32
      %mul3A_470 = arith.constant 16 : i32
      %mul3A_471 = arith.muli %scan3A_469, %mul3A_470 : i32
      %swap3A_472 = arith.index_cast %mul3A_471 : i32 to index
      %swap3A_473 = tpu.vector_load %arg8[%swap3A_472] {strides = array<i32>} : memref<8208xf32, #tpu.memory_space<vmem>>, vector<16xf32>,
      tpu.vector_store %arg8[%swap3A_472], %broadcast_in_dim3A_9 {strides = array<i32>} : memref<8208xf32, #tpu.memory_space<vmem>>, vector<16xf32>,
    }
    %scan3A_14 = arith.constant 512 : i32
    %scan3A_15 = arith.addi %scan3A_10, %scan3A_14 : i32
    %mul3A_16 = arith.constant 16 : i32
    %mul3A_17 = arith.muli %scan3A_15, %mul3A_16 : i32
    %swap3A = arith.index_cast %mul3A_17 : i32 to index
    %swap3A_18 = tpu.vector_load %arg8[%swap3A] {strides = array<i32>} : memref<8208xf32, #tpu.memory_space<vmem>>, vector<16xf32>,
    tpu.vector_store %arg8[%swap3A], %broadcast_in_dim3A_9 {strides = array<i32>} : memref<8208xf32, #tpu.memory_space<vmem>>, vector<16xf32>,
    %scan3A_19 = arith.constant 513 : i32
    %not3A_20 = arith.constant true
    %not3A_21 = arith.xori %eq3A_3, %not3A_20 : i1
    %convert_element_type3A_22 = arith.extui %not3A_21 : i1 to i32
    %cond3A_23 = arith.constant 0 : i32
    %cond3A_24 = arith.cmpi ne, %convert_element_type3A_22, %cond3A_23 : i32
    scf.if %cond3A_24 {
      %dma_wait3A_379 = tpu.memref_slice %arg2[%mul3A_0] : memref<102400xf32, #tpu.memory_space<hbm>> -> memref<6400xf32, #tpu.memory_space<hbm>>
      %dma_wait3A_380 = tpu.memref_slice %arg2[%mul3A_0] : memref<102400xf32, #tpu.memory_space<hbm>> -> memref<6400xf32, #tpu.memory_space<hbm>>
      tpu.wait_dma2 semaphore(%arg12 : memref<!tpu.dma_semaphore, #tpu.memory_space<semaphore_mem>>) src(%dma_wait3A_380 : memref<6400xf32, #tpu.memory_space<hbm>>) dst(%arg6 : memref<6400xf32, #tpu.memory_space<vmem>>)
      %dma_wait3A_381 = tpu.memref_slice %arg3[%mul3A_2] : memref<100000xi32, #tpu.memory_space<hbm>> -> memref<6400xi32, #tpu.memory_space<hbm>>
      %dma_wait3A_382 = tpu.memref_slice %arg3[%mul3A_2] : memref<100000xi32, #tpu.memory_space<hbm>> -> memref<6400xi32, #tpu.memory_space<hbm>>
      tpu.wait_dma2 semaphore(%arg13 : memref<!tpu.dma_semaphore, #tpu.memory_space<semaphore_mem>>) src(%dma_wait3A_382 : memref<6400xi32, #tpu.memory_space<hbm>>) dst(%arg7 : memref<6400xi32, #tpu.memory_space<vmem>>)
    } else {
    }
    %convert_element_type3A_25 = arith.extui %eq3A_3 : i1 to i32
    %cond3A_26 = arith.constant 0 : i32
    %cond3A_27 = arith.cmpi ne, %convert_element_type3A_25, %cond3A_26 : i32
    scf.if %cond3A_27 {
      %dma_wait3A_379 = arith.constant 0 : i32
      %dma_wait3A_380 = tpu.memref_slice %arg6[%dma_wait3A_379] : memref<6400xf32, #tpu.memory_space<vmem>> -> memref<4000xf32, #tpu.memory_space<vmem>>
      %dma_wait3A_381 = tpu.memref_slice %arg2[%mul3A_0] : memref<102400xf32, #tpu.memory_space<hbm>> -> memref<4000xf32, #tpu.memory_space<hbm>>
      %dma_wait3A_382 = arith.constant 0 : i32
      %dma_wait3A_383 = tpu.memref_slice %arg6[%dma_wait3A_382] : memref<6400xf32, #tpu.memory_space<vmem>> -> memref<4000xf32, #tpu.memory_space<vmem>>
      %dma_wait3A_384 = tpu.memref_slice %arg2[%mul3A_0] : memref<102400xf32, #tpu.memory_space<hbm>> -> memref<4000xf32, #tpu.memory_space<hbm>>
      tpu.wait_dma2 semaphore(%arg12 : memref<!tpu.dma_semaphore, #tpu.memory_space<semaphore_mem>>) src(%dma_wait3A_384 : memref<4000xf32, #tpu.memory_space<hbm>>) dst(%dma_wait3A_383 : memref<4000xf32, #tpu.memory_space<vmem>>)
      %dma_wait3A_385 = arith.constant 0 : i32
      %dma_wait3A_386 = tpu.memref_slice %arg7[%dma_wait3A_385] : memref<6400xi32, #tpu.memory_space<vmem>> -> memref<4000xi32, #tpu.memory_space<vmem>>
      %dma_wait3A_387 = tpu.memref_slice %arg3[%mul3A_2] : memref<100000xi32, #tpu.memory_space<hbm>> -> memref<4000xi32, #tpu.memory_space<hbm>>
      %dma_wait3A_388 = arith.constant 0 : i32
      %dma_wait3A_389 = tpu.memref_slice %arg7[%dma_wait3A_388] : memref<6400xi32, #tpu.memory_space<vmem>> -> memref<4000xi32, #tpu.memory_space<vmem>>
      %dma_wait3A_390 = tpu.memref_slice %arg3[%mul3A_2] : memref<100000xi32, #tpu.memory_space<hbm>> -> memref<4000xi32, #tpu.memory_space<hbm>>
      tpu.wait_dma2 semaphore(%arg13 : memref<!tpu.dma_semaphore, #tpu.memory_space<semaphore_mem>>) src(%dma_wait3A_390 : memref<4000xi32, #tpu.memory_space<hbm>>) dst(%dma_wait3A_389 : memref<4000xi32, #tpu.memory_space<vmem>>)
    } else {
    }
    %iota3A = tpu.iota {dimensions = array<i32: 0>} : vector<16xi32>
    %mul3A_28 = arith.constant 513 : i32
    %mul3A_29 = vector.broadcast %mul3A_28 : i32 to vector<16xi32>
    %mul3A_30 = arith.muli %iota3A, %mul3A_29 : vector<16xi32>
    %not3A_31 = arith.constant true
    %not3A_32 = arith.xori %eq3A_3, %not3A_31 : i1
    %convert_element_type3A_33 = arith.extui %not3A_32 : i1 to i32
    %cond3A_34 = arith.constant 0 : i32
    %cond3A_35 = arith.cmpi ne, %convert_element_type3A_33, %cond3A_34 : i32
    scf.if %cond3A_35 {
      %scan3A_379 = arith.constant 0 : i32
      %scan3A_380 = arith.constant 0 : i32
      %scan3A_381 = arith.constant 400 : i32
      %scan3A_382 = arith.addi %scan3A_380, %scan3A_381 : i32
      %scan3A_383 = arith.constant 8 : i32
      scf.for %scan3A_385 = %scan3A_380 to %scan3A_382 step %scan3A_383  : i32 {
        %mul3A_386 = arith.constant 16 : i32
        %mul3A_387 = arith.muli %scan3A_385, %mul3A_386 : i32
        %get3A_388 = arith.index_cast %mul3A_387 : i32 to index
        %get3A_389 = tpu.vector_load %arg7[%get3A_388] {strides = array<i32>} : memref<6400xi32, #tpu.memory_space<vmem>>, vector<16xi32>,
        %add3A_390 = arith.addi %get3A_389, %mul3A_30 : vector<16xi32>
        %mul3A_391 = arith.constant 16 : i32
        %mul3A_392 = arith.muli %scan3A_385, %mul3A_391 : i32
        %get3A_393 = arith.index_cast %mul3A_392 : i32 to index
        %get3A_394 = tpu.vector_load %arg6[%get3A_393] {strides = array<i32>} : memref<6400xf32, #tpu.memory_space<vmem>>, vector<16xf32>,
        tpu.vector_store_idx %arg8[%add3A_390], %get3A_394 {add = true} : memref<8208xf32, #tpu.memory_space<vmem>>[vector<16xi32>], vector<16xf32>,
        %scan3A_395 = arith.constant 1 : i32
        %scan3A_396 = arith.addi %scan3A_385, %scan3A_395 : i32
        %mul3A_397 = arith.constant 16 : i32
        %mul3A_398 = arith.muli %scan3A_396, %mul3A_397 : i32
        %get3A_399 = arith.index_cast %mul3A_398 : i32 to index
        %get3A_400 = tpu.vector_load %arg7[%get3A_399] {strides = array<i32>} : memref<6400xi32, #tpu.memory_space<vmem>>, vector<16xi32>,
        %add3A_401 = arith.addi %get3A_400, %mul3A_30 : vector<16xi32>
        %mul3A_402 = arith.constant 16 : i32
        %mul3A_403 = arith.muli %scan3A_396, %mul3A_402 : i32
        %get3A_404 = arith.index_cast %mul3A_403 : i32 to index
        %get3A_405 = tpu.vector_load %arg6[%get3A_404] {strides = array<i32>} : memref<6400xf32, #tpu.memory_space<vmem>>, vector<16xf32>,
        tpu.vector_store_idx %arg8[%add3A_401], %get3A_405 {add = true} : memref<8208xf32, #tpu.memory_space<vmem>>[vector<16xi32>], vector<16xf32>,
        %scan3A_406 = arith.constant 2 : i32
        %scan3A_407 = arith.addi %scan3A_385, %scan3A_406 : i32
        %mul3A_408 = arith.constant 16 : i32
        %mul3A_409 = arith.muli %scan3A_407, %mul3A_408 : i32
        %get3A_410 = arith.index_cast %mul3A_409 : i32 to index
        %get3A_411 = tpu.vector_load %arg7[%get3A_410] {strides = array<i32>} : memref<6400xi32, #tpu.memory_space<vmem>>, vector<16xi32>,
        %add3A_412 = arith.addi %get3A_411, %mul3A_30 : vector<16xi32>
        %mul3A_413 = arith.constant 16 : i32
        %mul3A_414 = arith.muli %scan3A_407, %mul3A_413 : i32
        %get3A_415 = arith.index_cast %mul3A_414 : i32 to index
        %get3A_416 = tpu.vector_load %arg6[%get3A_415] {strides = array<i32>} : memref<6400xf32, #tpu.memory_space<vmem>>, vector<16xf32>,
        tpu.vector_store_idx %arg8[%add3A_412], %get3A_416 {add = true} : memref<8208xf32, #tpu.memory_space<vmem>>[vector<16xi32>], vector<16xf32>,
        %scan3A_417 = arith.constant 3 : i32
        %scan3A_418 = arith.addi %scan3A_385, %scan3A_417 : i32
        %mul3A_419 = arith.constant 16 : i32
        %mul3A_420 = arith.muli %scan3A_418, %mul3A_419 : i32
        %get3A_421 = arith.index_cast %mul3A_420 : i32 to index
        %get3A_422 = tpu.vector_load %arg7[%get3A_421] {strides = array<i32>} : memref<6400xi32, #tpu.memory_space<vmem>>, vector<16xi32>,
        %add3A_423 = arith.addi %get3A_422, %mul3A_30 : vector<16xi32>
        %mul3A_424 = arith.constant 16 : i32
        %mul3A_425 = arith.muli %scan3A_418, %mul3A_424 : i32
        %get3A_426 = arith.index_cast %mul3A_425 : i32 to index
        %get3A_427 = tpu.vector_load %arg6[%get3A_426] {strides = array<i32>} : memref<6400xf32, #tpu.memory_space<vmem>>, vector<16xf32>,
        tpu.vector_store_idx %arg8[%add3A_423], %get3A_427 {add = true} : memref<8208xf32, #tpu.memory_space<vmem>>[vector<16xi32>], vector<16xf32>,
        %scan3A_428 = arith.constant 4 : i32
        %scan3A_429 = arith.addi %scan3A_385, %scan3A_428 : i32
        %mul3A_430 = arith.constant 16 : i32
        %mul3A_431 = arith.muli %scan3A_429, %mul3A_430 : i32
        %get3A_432 = arith.index_cast %mul3A_431 : i32 to index
        %get3A_433 = tpu.vector_load %arg7[%get3A_432] {strides = array<i32>} : memref<6400xi32, #tpu.memory_space<vmem>>, vector<16xi32>,
        %add3A_434 = arith.addi %get3A_433, %mul3A_30 : vector<16xi32>
        %mul3A_435 = arith.constant 16 : i32
        %mul3A_436 = arith.muli %scan3A_429, %mul3A_435 : i32
        %get3A_437 = arith.index_cast %mul3A_436 : i32 to index
        %get3A_438 = tpu.vector_load %arg6[%get3A_437] {strides = array<i32>} : memref<6400xf32, #tpu.memory_space<vmem>>, vector<16xf32>,
        tpu.vector_store_idx %arg8[%add3A_434], %get3A_438 {add = true} : memref<8208xf32, #tpu.memory_space<vmem>>[vector<16xi32>], vector<16xf32>,
        %scan3A_439 = arith.constant 5 : i32
        %scan3A_440 = arith.addi %scan3A_385, %scan3A_439 : i32
        %mul3A_441 = arith.constant 16 : i32
        %mul3A_442 = arith.muli %scan3A_440, %mul3A_441 : i32
        %get3A_443 = arith.index_cast %mul3A_442 : i32 to index
        %get3A_444 = tpu.vector_load %arg7[%get3A_443] {strides = array<i32>} : memref<6400xi32, #tpu.memory_space<vmem>>, vector<16xi32>,
        %add3A_445 = arith.addi %get3A_444, %mul3A_30 : vector<16xi32>
        %mul3A_446 = arith.constant 16 : i32
        %mul3A_447 = arith.muli %scan3A_440, %mul3A_446 : i32
        %get3A_448 = arith.index_cast %mul3A_447 : i32 to index
        %get3A_449 = tpu.vector_load %arg6[%get3A_448] {strides = array<i32>} : memref<6400xf32, #tpu.memory_space<vmem>>, vector<16xf32>,
        tpu.vector_store_idx %arg8[%add3A_445], %get3A_449 {add = true} : memref<8208xf32, #tpu.memory_space<vmem>>[vector<16xi32>], vector<16xf32>,
        %scan3A_450 = arith.constant 6 : i32
        %scan3A_451 = arith.addi %scan3A_385, %scan3A_450 : i32
        %mul3A_452 = arith.constant 16 : i32
        %mul3A_453 = arith.muli %scan3A_451, %mul3A_452 : i32
        %get3A_454 = arith.index_cast %mul3A_453 : i32 to index
        %get3A_455 = tpu.vector_load %arg7[%get3A_454] {strides = array<i32>} : memref<6400xi32, #tpu.memory_space<vmem>>, vector<16xi32>,
        %add3A_456 = arith.addi %get3A_455, %mul3A_30 : vector<16xi32>
        %mul3A_457 = arith.constant 16 : i32
        %mul3A_458 = arith.muli %scan3A_451, %mul3A_457 : i32
        %get3A_459 = arith.index_cast %mul3A_458 : i32 to index
        %get3A_460 = tpu.vector_load %arg6[%get3A_459] {strides = array<i32>} : memref<6400xf32, #tpu.memory_space<vmem>>, vector<16xf32>,
        tpu.vector_store_idx %arg8[%add3A_456], %get3A_460 {add = true} : memref<8208xf32, #tpu.memory_space<vmem>>[vector<16xi32>], vector<16xf32>,
        %scan3A_461 = arith.constant 7 : i32
        %scan3A_462 = arith.addi %scan3A_385, %scan3A_461 : i32
        %mul3A_463 = arith.constant 16 : i32
        %mul3A_464 = arith.muli %scan3A_462, %mul3A_463 : i32
        %get3A_465 = arith.index_cast %mul3A_464 : i32 to index
        %get3A_466 = tpu.vector_load %arg7[%get3A_465] {strides = array<i32>} : memref<6400xi32, #tpu.memory_space<vmem>>, vector<16xi32>,
        %add3A_467 = arith.addi %get3A_466, %mul3A_30 : vector<16xi32>
        %mul3A_468 = arith.constant 16 : i32
        %mul3A_469 = arith.muli %scan3A_462, %mul3A_468 : i32
        %get3A_470 = arith.index_cast %mul3A_469 : i32 to index
        %get3A_471 = tpu.vector_load %arg6[%get3A_470] {strides = array<i32>} : memref<6400xf32, #tpu.memory_space<vmem>>, vector<16xf32>,
        tpu.vector_store_idx %arg8[%add3A_467], %get3A_471 {add = true} : memref<8208xf32, #tpu.memory_space<vmem>>[vector<16xi32>], vector<16xf32>,
      }
      %scan3A_384 = arith.constant 400 : i32
    } else {
    }
    %convert_element_type3A_36 = arith.extui %eq3A_3 : i1 to i32
    %cond3A_37 = arith.constant 0 : i32
    %cond3A_38 = arith.cmpi ne, %convert_element_type3A_36, %cond3A_37 : i32
    scf.if %cond3A_38 {
      %scan3A_379 = arith.constant 0 : i32
      %scan3A_380 = arith.constant 0 : i32
      %scan3A_381 = arith.constant 248 : i32
      %scan3A_382 = arith.addi %scan3A_380, %scan3A_381 : i32
      %scan3A_383 = arith.constant 8 : i32
      scf.for %scan3A_407 = %scan3A_380 to %scan3A_382 step %scan3A_383  : i32 {
        %mul3A_408 = arith.constant 16 : i32
        %mul3A_409 = arith.muli %scan3A_407, %mul3A_408 : i32
        %get3A_410 = arith.index_cast %mul3A_409 : i32 to index
        %get3A_411 = tpu.vector_load %arg7[%get3A_410] {strides = array<i32>} : memref<6400xi32, #tpu.memory_space<vmem>>, vector<16xi32>,
        %add3A_412 = arith.addi %get3A_411, %mul3A_30 : vector<16xi32>
        %mul3A_413 = arith.constant 16 : i32
        %mul3A_414 = arith.muli %scan3A_407, %mul3A_413 : i32
        %get3A_415 = arith.index_cast %mul3A_414 : i32 to index
        %get3A_416 = tpu.vector_load %arg6[%get3A_415] {strides = array<i32>} : memref<6400xf32, #tpu.memory_space<vmem>>, vector<16xf32>,
        tpu.vector_store_idx %arg8[%add3A_412], %get3A_416 {add = true} : memref<8208xf32, #tpu.memory_space<vmem>>[vector<16xi32>], vector<16xf32>,
        %scan3A_417 = arith.constant 1 : i32
        %scan3A_418 = arith.addi %scan3A_407, %scan3A_417 : i32
        %mul3A_419 = arith.constant 16 : i32
        %mul3A_420 = arith.muli %scan3A_418, %mul3A_419 : i32
        %get3A_421 = arith.index_cast %mul3A_420 : i32 to index
        %get3A_422 = tpu.vector_load %arg7[%get3A_421] {strides = array<i32>} : memref<6400xi32, #tpu.memory_space<vmem>>, vector<16xi32>,
        %add3A_423 = arith.addi %get3A_422, %mul3A_30 : vector<16xi32>
        %mul3A_424 = arith.constant 16 : i32
        %mul3A_425 = arith.muli %scan3A_418, %mul3A_424 : i32
        %get3A_426 = arith.index_cast %mul3A_425 : i32 to index
        %get3A_427 = tpu.vector_load %arg6[%get3A_426] {strides = array<i32>} : memref<6400xf32, #tpu.memory_space<vmem>>, vector<16xf32>,
        tpu.vector_store_idx %arg8[%add3A_423], %get3A_427 {add = true} : memref<8208xf32, #tpu.memory_space<vmem>>[vector<16xi32>], vector<16xf32>,
        %scan3A_428 = arith.constant 2 : i32
        %scan3A_429 = arith.addi %scan3A_407, %scan3A_428 : i32
        %mul3A_430 = arith.constant 16 : i32
        %mul3A_431 = arith.muli %scan3A_429, %mul3A_430 : i32
        %get3A_432 = arith.index_cast %mul3A_431 : i32 to index
        %get3A_433 = tpu.vector_load %arg7[%get3A_432] {strides = array<i32>} : memref<6400xi32, #tpu.memory_space<vmem>>, vector<16xi32>,
        %add3A_434 = arith.addi %get3A_433, %mul3A_30 : vector<16xi32>
        %mul3A_435 = arith.constant 16 : i32
        %mul3A_436 = arith.muli %scan3A_429, %mul3A_435 : i32
        %get3A_437 = arith.index_cast %mul3A_436 : i32 to index
        %get3A_438 = tpu.vector_load %arg6[%get3A_437] {strides = array<i32>} : memref<6400xf32, #tpu.memory_space<vmem>>, vector<16xf32>,
        tpu.vector_store_idx %arg8[%add3A_434], %get3A_438 {add = true} : memref<8208xf32, #tpu.memory_space<vmem>>[vector<16xi32>], vector<16xf32>,
        %scan3A_439 = arith.constant 3 : i32
        %scan3A_440 = arith.addi %scan3A_407, %scan3A_439 : i32
        %mul3A_441 = arith.constant 16 : i32
        %mul3A_442 = arith.muli %scan3A_440, %mul3A_441 : i32
        %get3A_443 = arith.index_cast %mul3A_442 : i32 to index
        %get3A_444 = tpu.vector_load %arg7[%get3A_443] {strides = array<i32>} : memref<6400xi32, #tpu.memory_space<vmem>>, vector<16xi32>,
        %add3A_445 = arith.addi %get3A_444, %mul3A_30 : vector<16xi32>
        %mul3A_446 = arith.constant 16 : i32
        %mul3A_447 = arith.muli %scan3A_440, %mul3A_446 : i32
        %get3A_448 = arith.index_cast %mul3A_447 : i32 to index
        %get3A_449 = tpu.vector_load %arg6[%get3A_448] {strides = array<i32>} : memref<6400xf32, #tpu.memory_space<vmem>>, vector<16xf32>,
        tpu.vector_store_idx %arg8[%add3A_445], %get3A_449 {add = true} : memref<8208xf32, #tpu.memory_space<vmem>>[vector<16xi32>], vector<16xf32>,
        %scan3A_450 = arith.constant 4 : i32
        %scan3A_451 = arith.addi %scan3A_407, %scan3A_450 : i32
        %mul3A_452 = arith.constant 16 : i32
        %mul3A_453 = arith.muli %scan3A_451, %mul3A_452 : i32
        %get3A_454 = arith.index_cast %mul3A_453 : i32 to index
        %get3A_455 = tpu.vector_load %arg7[%get3A_454] {strides = array<i32>} : memref<6400xi32, #tpu.memory_space<vmem>>, vector<16xi32>,
        %add3A_456 = arith.addi %get3A_455, %mul3A_30 : vector<16xi32>
        %mul3A_457 = arith.constant 16 : i32
        %mul3A_458 = arith.muli %scan3A_451, %mul3A_457 : i32
        %get3A_459 = arith.index_cast %mul3A_458 : i32 to index
        %get3A_460 = tpu.vector_load %arg6[%get3A_459] {strides = array<i32>} : memref<6400xf32, #tpu.memory_space<vmem>>, vector<16xf32>,
        tpu.vector_store_idx %arg8[%add3A_456], %get3A_460 {add = true} : memref<8208xf32, #tpu.memory_space<vmem>>[vector<16xi32>], vector<16xf32>,
        %scan3A_461 = arith.constant 5 : i32
        %scan3A_462 = arith.addi %scan3A_407, %scan3A_461 : i32
        %mul3A_463 = arith.constant 16 : i32
        %mul3A_464 = arith.muli %scan3A_462, %mul3A_463 : i32
        %get3A_465 = arith.index_cast %mul3A_464 : i32 to index
        %get3A_466 = tpu.vector_load %arg7[%get3A_465] {strides = array<i32>} : memref<6400xi32, #tpu.memory_space<vmem>>, vector<16xi32>,
        %add3A_467 = arith.addi %get3A_466, %mul3A_30 : vector<16xi32>
        %mul3A_468 = arith.constant 16 : i32
        %mul3A_469 = arith.muli %scan3A_462, %mul3A_468 : i32
        %get3A_470 = arith.index_cast %mul3A_469 : i32 to index
        %get3A_471 = tpu.vector_load %arg6[%get3A_470] {strides = array<i32>} : memref<6400xf32, #tpu.memory_space<vmem>>, vector<16xf32>,
        tpu.vector_store_idx %arg8[%add3A_467], %get3A_471 {add = true} : memref<8208xf32, #tpu.memory_space<vmem>>[vector<16xi32>], vector<16xf32>,
        %scan3A_472 = arith.constant 6 : i32
        %scan3A_473 = arith.addi %scan3A_407, %scan3A_472 : i32
        %mul3A_474 = arith.constant 16 : i32
        %mul3A_475 = arith.muli %scan3A_473, %mul3A_474 : i32
        %get3A_476 = arith.index_cast %mul3A_475 : i32 to index
        %get3A_477 = tpu.vector_load %arg7[%get3A_476] {strides = array<i32>} : memref<6400xi32, #tpu.memory_space<vmem>>, vector<16xi32>,
        %add3A_478 = arith.addi %get3A_477, %mul3A_30 : vector<16xi32>
        %mul3A_479 = arith.constant 16 : i32
        %mul3A_480 = arith.muli %scan3A_473, %mul3A_479 : i32
        %get3A_481 = arith.index_cast %mul3A_480 : i32 to index
        %get3A_482 = tpu.vector_load %arg6[%get3A_481] {strides = array<i32>} : memref<6400xf32, #tpu.memory_space<vmem>>, vector<16xf32>,
        tpu.vector_store_idx %arg8[%add3A_478], %get3A_482 {add = true} : memref<8208xf32, #tpu.memory_space<vmem>>[vector<16xi32>], vector<16xf32>,
        %scan3A_483 = arith.constant 7 : i32
        %scan3A_484 = arith.addi %scan3A_407, %scan3A_483 : i32
        %mul3A_485 = arith.constant 16 : i32
        %mul3A_486 = arith.muli %scan3A_484, %mul3A_485 : i32
        %get3A_487 = arith.index_cast %mul3A_486 : i32 to index
        %get3A_488 = tpu.vector_load %arg7[%get3A_487] {strides = array<i32>} : memref<6400xi32, #tpu.memory_space<vmem>>, vector<16xi32>,
        %add3A_489 = arith.addi %get3A_488, %mul3A_30 : vector<16xi32>
        %mul3A_490 = arith.constant 16 : i32
        %mul3A_491 = arith.muli %scan3A_484, %mul3A_490 : i32
        %get3A_492 = arith.index_cast %mul3A_491 : i32 to index
        %get3A_493 = tpu.vector_load %arg6[%get3A_492] {strides = array<i32>} : memref<6400xf32, #tpu.memory_space<vmem>>, vector<16xf32>,
        tpu.vector_store_idx %arg8[%add3A_489], %get3A_493 {add = true} : memref<8208xf32, #tpu.memory_space<vmem>>[vector<16xi32>], vector<16xf32>,
      }
      %scan3A_384 = arith.constant 248 : i32
      %scan3A_385 = arith.addi %scan3A_380, %scan3A_384 : i32
      %mul3A_386 = arith.constant 16 : i32
      %mul3A_387 = arith.muli %scan3A_385, %mul3A_386 : i32
      %get3A_388 = arith.index_cast %mul3A_387 : i32 to index
      %get3A_389 = tpu.vector_load %arg7[%get3A_388] {strides = array<i32>} : memref<6400xi32, #tpu.memory_space<vmem>>, vector<16xi32>,
      %add3A_390 = arith.addi %get3A_389, %mul3A_30 : vector<16xi32>
      %mul3A_391 = arith.constant 16 : i32
      %mul3A_392 = arith.muli %scan3A_385, %mul3A_391 : i32
      %get3A_393 = arith.index_cast %mul3A_392 : i32 to index
      %get3A_394 = tpu.vector_load %arg6[%get3A_393] {strides = array<i32>} : memref<6400xf32, #tpu.memory_space<vmem>>, vector<16xf32>,
      tpu.vector_store_idx %arg8[%add3A_390], %get3A_394 {add = true} : memref<8208xf32, #tpu.memory_space<vmem>>[vector<16xi32>], vector<16xf32>,
      %scan3A_395 = arith.constant 249 : i32
      %scan3A_396 = arith.addi %scan3A_380, %scan3A_395 : i32
      %mul3A_397 = arith.constant 16 : i32
      %mul3A_398 = arith.muli %scan3A_396, %mul3A_397 : i32
      %get3A_399 = arith.index_cast %mul3A_398 : i32 to index
      %get3A_400 = tpu.vector_load %arg7[%get3A_399] {strides = array<i32>} : memref<6400xi32, #tpu.memory_space<vmem>>, vector<16xi32>,
      %add3A_401 = arith.addi %get3A_400, %mul3A_30 : vector<16xi32>
      %mul3A_402 = arith.constant 16 : i32
      %mul3A_403 = arith.muli %scan3A_396, %mul3A_402 : i32
      %get3A_404 = arith.index_cast %mul3A_403 : i32 to index
      %get3A_405 = tpu.vector_load %arg6[%get3A_404] {strides = array<i32>} : memref<6400xf32, #tpu.memory_space<vmem>>, vector<16xf32>,
      tpu.vector_store_idx %arg8[%add3A_401], %get3A_405 {add = true} : memref<8208xf32, #tpu.memory_space<vmem>>[vector<16xi32>], vector<16xf32>,
      %scan3A_406 = arith.constant 250 : i32
    } else {
    }
    %scan3A_39 = arith.constant 0 : i32
    %scan3A_40 = arith.constant 0 : i32
    %scan3A_41 = arith.constant 32 : i32
    %scan3A_42 = arith.addi %scan3A_40, %scan3A_41 : i32
    %scan3A_43 = arith.constant 1 : i32
    scf.for %scan3A_379 = %scan3A_40 to %scan3A_42 step %scan3A_43  : i32 {
      %mul3A_380 = arith.constant 16 : i32
      %mul3A_381 = arith.muli %scan3A_379, %mul3A_380 : i32
      %get3A_382 = arith.index_cast %mul3A_381 : i32 to index
      %get3A_383 = tpu.vector_load %arg8[%get3A_382] {strides = array<i32>} : memref<8208xf32, #tpu.memory_space<vmem>>, vector<16xf32>,
      %mul3A_384 = arith.constant 16 : i32
      %mul3A_385 = arith.muli %scan3A_379, %mul3A_384 : i32
      %add3A_386 = arith.constant 513 : i32
      %add3A_387 = arith.addi %add3A_386, %mul3A_385 : i32
      %get3A_388 = arith.index_cast %add3A_387 : i32 to index
      %get3A_389 = tpu.vector_load %arg8[%get3A_388] {strides = array<i32>} : memref<8208xf32, #tpu.memory_space<vmem>>, vector<16xf32>,
      %add3A_390 = arith.addf %get3A_383, %get3A_389 : vector<16xf32>
      %mul3A_391 = arith.constant 16 : i32
      %mul3A_392 = arith.muli %scan3A_379, %mul3A_391 : i32
      %add3A_393 = arith.constant 1026 : i32
      %add3A_394 = arith.addi %add3A_393, %mul3A_392 : i32
      %get3A_395 = arith.index_cast %add3A_394 : i32 to index
      %get3A_396 = tpu.vector_load %arg8[%get3A_395] {strides = array<i32>} : memref<8208xf32, #tpu.memory_space<vmem>>, vector<16xf32>,
      %add3A_397 = arith.addf %add3A_390, %get3A_396 : vector<16xf32>
      %mul3A_398 = arith.constant 16 : i32
      %mul3A_399 = arith.muli %scan3A_379, %mul3A_398 : i32
      %add3A_400 = arith.constant 1539 : i32
      %add3A_401 = arith.addi %add3A_400, %mul3A_399 : i32
      %get3A_402 = arith.index_cast %add3A_401 : i32 to index
      %get3A_403 = tpu.vector_load %arg8[%get3A_402] {strides = array<i32>} : memref<8208xf32, #tpu.memory_space<vmem>>, vector<16xf32>,
      %add3A_404 = arith.addf %add3A_397, %get3A_403 : vector<16xf32>
      %mul3A_405 = arith.constant 16 : i32
      %mul3A_406 = arith.muli %scan3A_379, %mul3A_405 : i32
      %add3A_407 = arith.constant 2052 : i32
      %add3A_408 = arith.addi %add3A_407, %mul3A_406 : i32
      %get3A_409 = arith.index_cast %add3A_408 : i32 to index
      %get3A_410 = tpu.vector_load %arg8[%get3A_409] {strides = array<i32>} : memref<8208xf32, #tpu.memory_space<vmem>>, vector<16xf32>,
      %add3A_411 = arith.addf %add3A_404, %get3A_410 : vector<16xf32>
      %mul3A_412 = arith.constant 16 : i32
      %mul3A_413 = arith.muli %scan3A_379, %mul3A_412 : i32
      %add3A_414 = arith.constant 2565 : i32
      %add3A_415 = arith.addi %add3A_414, %mul3A_413 : i32
      %get3A_416 = arith.index_cast %add3A_415 : i32 to index
      %get3A_417 = tpu.vector_load %arg8[%get3A_416] {strides = array<i32>} : memref<8208xf32, #tpu.memory_space<vmem>>, vector<16xf32>,
      %add3A_418 = arith.addf %add3A_411, %get3A_417 : vector<16xf32>
      %mul3A_419 = arith.constant 16 : i32
      %mul3A_420 = arith.muli %scan3A_379, %mul3A_419 : i32
      %add3A_421 = arith.constant 3078 : i32
      %add3A_422 = arith.addi %add3A_421, %mul3A_420 : i32
      %get3A_423 = arith.index_cast %add3A_422 : i32 to index
      %get3A_424 = tpu.vector_load %arg8[%get3A_423] {strides = array<i32>} : memref<8208xf32, #tpu.memory_space<vmem>>, vector<16xf32>,
      %add3A_425 = arith.addf %add3A_418, %get3A_424 : vector<16xf32>
      %mul3A_426 = arith.constant 16 : i32
      %mul3A_427 = arith.muli %scan3A_379, %mul3A_426 : i32
      %add3A_428 = arith.constant 3591 : i32
      %add3A_429 = arith.addi %add3A_428, %mul3A_427 : i32
      %get3A_430 = arith.index_cast %add3A_429 : i32 to index
      %get3A_431 = tpu.vector_load %arg8[%get3A_430] {strides = array<i32>} : memref<8208xf32, #tpu.memory_space<vmem>>, vector<16xf32>,
      %add3A_432 = arith.addf %add3A_425, %get3A_431 : vector<16xf32>
      %mul3A_433 = arith.constant 16 : i32
      %mul3A_434 = arith.muli %scan3A_379, %mul3A_433 : i32
      %add3A_435 = arith.constant 4104 : i32
      %add3A_436 = arith.addi %add3A_435, %mul3A_434 : i32
      %get3A_437 = arith.index_cast %add3A_436 : i32 to index
      %get3A_438 = tpu.vector_load %arg8[%get3A_437] {strides = array<i32>} : memref<8208xf32, #tpu.memory_space<vmem>>, vector<16xf32>,
      %add3A_439 = arith.addf %add3A_432, %get3A_438 : vector<16xf32>
      %mul3A_440 = arith.constant 16 : i32
      %mul3A_441 = arith.muli %scan3A_379, %mul3A_440 : i32
      %add3A_442 = arith.constant 4617 : i32
      %add3A_443 = arith.addi %add3A_442, %mul3A_441 : i32
      %get3A_444 = arith.index_cast %add3A_443 : i32 to index
      %get3A_445 = tpu.vector_load %arg8[%get3A_444] {strides = array<i32>} : memref<8208xf32, #tpu.memory_space<vmem>>, vector<16xf32>,
      %add3A_446 = arith.addf %add3A_439, %get3A_445 : vector<16xf32>
      %mul3A_447 = arith.constant 16 : i32
      %mul3A_448 = arith.muli %scan3A_379, %mul3A_447 : i32
      %add3A_449 = arith.constant 5130 : i32
      %add3A_450 = arith.addi %add3A_449, %mul3A_448 : i32
      %get3A_451 = arith.index_cast %add3A_450 : i32 to index
      %get3A_452 = tpu.vector_load %arg8[%get3A_451] {strides = array<i32>} : memref<8208xf32, #tpu.memory_space<vmem>>, vector<16xf32>,
      %add3A_453 = arith.addf %add3A_446, %get3A_452 : vector<16xf32>
      %mul3A_454 = arith.constant 16 : i32
      %mul3A_455 = arith.muli %scan3A_379, %mul3A_454 : i32
      %add3A_456 = arith.constant 5643 : i32
      %add3A_457 = arith.addi %add3A_456, %mul3A_455 : i32
      %get3A_458 = arith.index_cast %add3A_457 : i32 to index
      %get3A_459 = tpu.vector_load %arg8[%get3A_458] {strides = array<i32>} : memref<8208xf32, #tpu.memory_space<vmem>>, vector<16xf32>,
      %add3A_460 = arith.addf %add3A_453, %get3A_459 : vector<16xf32>
      %mul3A_461 = arith.constant 16 : i32
      %mul3A_462 = arith.muli %scan3A_379, %mul3A_461 : i32
      %add3A_463 = arith.constant 6156 : i32
      %add3A_464 = arith.addi %add3A_463, %mul3A_462 : i32
      %get3A_465 = arith.index_cast %add3A_464 : i32 to index
      %get3A_466 = tpu.vector_load %arg8[%get3A_465] {strides = array<i32>} : memref<8208xf32, #tpu.memory_space<vmem>>, vector<16xf32>,
      %add3A_467 = arith.addf %add3A_460, %get3A_466 : vector<16xf32>
      %mul3A_468 = arith.constant 16 : i32
      %mul3A_469 = arith.muli %scan3A_379, %mul3A_468 : i32
      %add3A_470 = arith.constant 6669 : i32
      %add3A_471 = arith.addi %add3A_470, %mul3A_469 : i32
      %get3A_472 = arith.index_cast %add3A_471 : i32 to index
      %get3A_473 = tpu.vector_load %arg8[%get3A_472] {strides = array<i32>} : memref<8208xf32, #tpu.memory_space<vmem>>, vector<16xf32>,
      %add3A_474 = arith.addf %add3A_467, %get3A_473 : vector<16xf32>
      %mul3A_475 = arith.constant 16 : i32
      %mul3A_476 = arith.muli %scan3A_379, %mul3A_475 : i32
      %add3A_477 = arith.constant 7182 : i32
      %add3A_478 = arith.addi %add3A_477, %mul3A_476 : i32
      %get3A_479 = arith.index_cast %add3A_478 : i32 to index
      %get3A_480 = tpu.vector_load %arg8[%get3A_479] {strides = array<i32>} : memref<8208xf32, #tpu.memory_space<vmem>>, vector<16xf32>,
      %add3A_481 = arith.addf %add3A_474, %get3A_480 : vector<16xf32>
      %mul3A_482 = arith.constant 16 : i32
      %mul3A_483 = arith.muli %scan3A_379, %mul3A_482 : i32
      %add3A_484 = arith.constant 7695 : i32
      %add3A_485 = arith.addi %add3A_484, %mul3A_483 : i32
      %get3A_486 = arith.index_cast %add3A_485 : i32 to index
      %get3A_487 = tpu.vector_load %arg8[%get3A_486] {strides = array<i32>} : memref<8208xf32, #tpu.memory_space<vmem>>, vector<16xf32>,
      %add3A_488 = arith.addf %add3A_481, %get3A_487 : vector<16xf32>
      %mul3A_489 = arith.constant 16 : i32
      %mul3A_490 = arith.muli %scan3A_379, %mul3A_489 : i32
      %swap3A_491 = arith.index_cast %mul3A_490 : i32 to index
      %swap3A_492 = tpu.vector_load %arg9[%swap3A_491] {strides = array<i32>} : memref<512xf32, #tpu.memory_space<vmem>>, vector<16xf32>,
      tpu.vector_store %arg9[%swap3A_491], %add3A_488 {strides = array<i32>} : memref<512xf32, #tpu.memory_space<vmem>>, vector<16xf32>,
    }
    %scan3A_44 = arith.constant 32 : i32
    %mul3A_45 = arith.constant 512 : i32
    %mul3A_46 = arith.muli %arg1, %mul3A_45 : i32
    "tpu.region"() ({
      %run_scoped3A = tpu.sem_alloc : memref<!tpu.dma_semaphore, #tpu.memory_space<semaphore_mem>>
      %dma_start3A_379 = tpu.memref_slice %arg11[%mul3A_46] : memref<8192xf32, #tpu.memory_space<vmem_shared>> -> memref<512xf32, #tpu.memory_space<vmem_shared>>
      %dma_start3A_380 = tpu.memref_slice %arg11[%mul3A_46] : memref<8192xf32, #tpu.memory_space<vmem_shared>> -> memref<512xf32, #tpu.memory_space<vmem_shared>>
      tpu.enqueue_dma source(%arg9 : memref<512xf32, #tpu.memory_space<vmem>>) target(%dma_start3A_380 : memref<512xf32, #tpu.memory_space<vmem_shared>>) target_semaphore(%run_scoped3A : memref<!tpu.dma_semaphore, #tpu.memory_space<semaphore_mem>>)
      %dma_wait3A_381 = tpu.memref_slice %arg11[%mul3A_46] : memref<8192xf32, #tpu.memory_space<vmem_shared>> -> memref<512xf32, #tpu.memory_space<vmem_shared>>
      %dma_wait3A_382 = tpu.memref_slice %arg11[%mul3A_46] : memref<8192xf32, #tpu.memory_space<vmem_shared>> -> memref<512xf32, #tpu.memory_space<vmem_shared>>
      tpu.wait_dma2 semaphore(%run_scoped3A : memref<!tpu.dma_semaphore, #tpu.memory_space<semaphore_mem>>) src(%arg9 : memref<512xf32, #tpu.memory_space<vmem>>) dst(%dma_wait3A_382 : memref<512xf32, #tpu.memory_space<vmem_shared>>)
      tpu.yield
    }) : () -> ()
    %barrier3A = arith.constant 0 : index
    tpu.barrier barrier_id(%barrier3A)
    %mul3A_47 = arith.constant 32 : i32
    %mul3A_48 = arith.muli %arg1, %mul3A_47 : i32
    %add3A = arith.constant 0 : i32
    %add3A_49 = arith.addi %add3A, %mul3A_48 : i32
    %add3A_50 = arith.constant 512 : i32
    %add3A_51 = arith.addi %add3A_50, %mul3A_48 : i32
    %add3A_52 = arith.constant 1024 : i32
    %add3A_53 = arith.addi %add3A_52, %mul3A_48 : i32
    %add3A_54 = arith.constant 1536 : i32
    %add3A_55 = arith.addi %add3A_54, %mul3A_48 : i32
    %add3A_56 = arith.constant 2048 : i32
    %add3A_57 = arith.addi %add3A_56, %mul3A_48 : i32
    %add3A_58 = arith.constant 2560 : i32
    %add3A_59 = arith.addi %add3A_58, %mul3A_48 : i32
    %add3A_60 = arith.constant 3072 : i32
    %add3A_61 = arith.addi %add3A_60, %mul3A_48 : i32
    %add3A_62 = arith.constant 3584 : i32
    %add3A_63 = arith.addi %add3A_62, %mul3A_48 : i32
    %add3A_64 = arith.constant 4096 : i32
    %add3A_65 = arith.addi %add3A_64, %mul3A_48 : i32
    %add3A_66 = arith.constant 4608 : i32
    %add3A_67 = arith.addi %add3A_66, %mul3A_48 : i32
    %add3A_68 = arith.constant 5120 : i32
    %add3A_69 = arith.addi %add3A_68, %mul3A_48 : i32
    %add3A_70 = arith.constant 5632 : i32
    %add3A_71 = arith.addi %add3A_70, %mul3A_48 : i32
    %add3A_72 = arith.constant 6144 : i32
    %add3A_73 = arith.addi %add3A_72, %mul3A_48 : i32
    %add3A_74 = arith.constant 6656 : i32
    %add3A_75 = arith.addi %add3A_74, %mul3A_48 : i32
    %add3A_76 = arith.constant 7168 : i32
    %add3A_77 = arith.addi %add3A_76, %mul3A_48 : i32
    %add3A_78 = arith.constant 7680 : i32
    %add3A_79 = arith.addi %add3A_78, %mul3A_48 : i32
    %dma_start3A = arith.constant 0 : i32
    %dma_start3A_80 = tpu.memref_slice %arg8[%dma_start3A] : memref<8208xf32, #tpu.memory_space<vmem>> -> memref<32xf32, #tpu.memory_space<vmem>>
    %dma_start3A_81 = tpu.memref_slice %arg11[%add3A_49] : memref<8192xf32, #tpu.memory_space<vmem_shared>> -> memref<32xf32, #tpu.memory_space<vmem_shared>>
    %dma_start3A_82 = arith.constant 0 : i32
    %dma_start3A_83 = tpu.memref_slice %arg8[%dma_start3A_82] : memref<8208xf32, #tpu.memory_space<vmem>> -> memref<32xf32, #tpu.memory_space<vmem>>
    %dma_start3A_84 = tpu.memref_slice %arg11[%add3A_49] : memref<8192xf32, #tpu.memory_space<vmem_shared>> -> memref<32xf32, #tpu.memory_space<vmem_shared>>
    tpu.enqueue_dma source(%dma_start3A_84 : memref<32xf32, #tpu.memory_space<vmem_shared>>) target(%dma_start3A_83 : memref<32xf32, #tpu.memory_space<vmem>>) target_semaphore(%arg12 : memref<!tpu.dma_semaphore, #tpu.memory_space<semaphore_mem>>)
    %dma_start3A_85 = arith.constant 32 : i32
    %dma_start3A_86 = tpu.memref_slice %arg8[%dma_start3A_85] : memref<8208xf32, #tpu.memory_space<vmem>> -> memref<32xf32, #tpu.memory_space<vmem>>
    %dma_start3A_87 = tpu.memref_slice %arg11[%add3A_51] : memref<8192xf32, #tpu.memory_space<vmem_shared>> -> memref<32xf32, #tpu.memory_space<vmem_shared>>
    %dma_start3A_88 = arith.constant 32 : i32
    %dma_start3A_89 = tpu.memref_slice %arg8[%dma_start3A_88] : memref<8208xf32, #tpu.memory_space<vmem>> -> memref<32xf32, #tpu.memory_space<vmem>>
    %dma_start3A_90 = tpu.memref_slice %arg11[%add3A_51] : memref<8192xf32, #tpu.memory_space<vmem_shared>> -> memref<32xf32, #tpu.memory_space<vmem_shared>>
    tpu.enqueue_dma source(%dma_start3A_90 : memref<32xf32, #tpu.memory_space<vmem_shared>>) target(%dma_start3A_89 : memref<32xf32, #tpu.memory_space<vmem>>) target_semaphore(%arg12 : memref<!tpu.dma_semaphore, #tpu.memory_space<semaphore_mem>>)
    %dma_start3A_91 = arith.constant 64 : i32
    %dma_start3A_92 = tpu.memref_slice %arg8[%dma_start3A_91] : memref<8208xf32, #tpu.memory_space<vmem>> -> memref<32xf32, #tpu.memory_space<vmem>>
    %dma_start3A_93 = tpu.memref_slice %arg11[%add3A_53] : memref<8192xf32, #tpu.memory_space<vmem_shared>> -> memref<32xf32, #tpu.memory_space<vmem_shared>>
    %dma_start3A_94 = arith.constant 64 : i32
    %dma_start3A_95 = tpu.memref_slice %arg8[%dma_start3A_94] : memref<8208xf32, #tpu.memory_space<vmem>> -> memref<32xf32, #tpu.memory_space<vmem>>
    %dma_start3A_96 = tpu.memref_slice %arg11[%add3A_53] : memref<8192xf32, #tpu.memory_space<vmem_shared>> -> memref<32xf32, #tpu.memory_space<vmem_shared>>
    tpu.enqueue_dma source(%dma_start3A_96 : memref<32xf32, #tpu.memory_space<vmem_shared>>) target(%dma_start3A_95 : memref<32xf32, #tpu.memory_space<vmem>>) target_semaphore(%arg12 : memref<!tpu.dma_semaphore, #tpu.memory_space<semaphore_mem>>)
    %dma_start3A_97 = arith.constant 96 : i32
    %dma_start3A_98 = tpu.memref_slice %arg8[%dma_start3A_97] : memref<8208xf32, #tpu.memory_space<vmem>> -> memref<32xf32, #tpu.memory_space<vmem>>
    %dma_start3A_99 = tpu.memref_slice %arg11[%add3A_55] : memref<8192xf32, #tpu.memory_space<vmem_shared>> -> memref<32xf32, #tpu.memory_space<vmem_shared>>
    %dma_start3A_100 = arith.constant 96 : i32
    %dma_start3A_101 = tpu.memref_slice %arg8[%dma_start3A_100] : memref<8208xf32, #tpu.memory_space<vmem>> -> memref<32xf32, #tpu.memory_space<vmem>>
    %dma_start3A_102 = tpu.memref_slice %arg11[%add3A_55] : memref<8192xf32, #tpu.memory_space<vmem_shared>> -> memref<32xf32, #tpu.memory_space<vmem_shared>>
    tpu.enqueue_dma source(%dma_start3A_102 : memref<32xf32, #tpu.memory_space<vmem_shared>>) target(%dma_start3A_101 : memref<32xf32, #tpu.memory_space<vmem>>) target_semaphore(%arg12 : memref<!tpu.dma_semaphore, #tpu.memory_space<semaphore_mem>>)
    %dma_start3A_103 = arith.constant 128 : i32
    %dma_start3A_104 = tpu.memref_slice %arg8[%dma_start3A_103] : memref<8208xf32, #tpu.memory_space<vmem>> -> memref<32xf32, #tpu.memory_space<vmem>>
    %dma_start3A_105 = tpu.memref_slice %arg11[%add3A_57] : memref<8192xf32, #tpu.memory_space<vmem_shared>> -> memref<32xf32, #tpu.memory_space<vmem_shared>>
    %dma_start3A_106 = arith.constant 128 : i32
    %dma_start3A_107 = tpu.memref_slice %arg8[%dma_start3A_106] : memref<8208xf32, #tpu.memory_space<vmem>> -> memref<32xf32, #tpu.memory_space<vmem>>
    %dma_start3A_108 = tpu.memref_slice %arg11[%add3A_57] : memref<8192xf32, #tpu.memory_space<vmem_shared>> -> memref<32xf32, #tpu.memory_space<vmem_shared>>
    tpu.enqueue_dma source(%dma_start3A_108 : memref<32xf32, #tpu.memory_space<vmem_shared>>) target(%dma_start3A_107 : memref<32xf32, #tpu.memory_space<vmem>>) target_semaphore(%arg12 : memref<!tpu.dma_semaphore, #tpu.memory_space<semaphore_mem>>)
    %dma_start3A_109 = arith.constant 160 : i32
    %dma_start3A_110 = tpu.memref_slice %arg8[%dma_start3A_109] : memref<8208xf32, #tpu.memory_space<vmem>> -> memref<32xf32, #tpu.memory_space<vmem>>
    %dma_start3A_111 = tpu.memref_slice %arg11[%add3A_59] : memref<8192xf32, #tpu.memory_space<vmem_shared>> -> memref<32xf32, #tpu.memory_space<vmem_shared>>
    %dma_start3A_112 = arith.constant 160 : i32
    %dma_start3A_113 = tpu.memref_slice %arg8[%dma_start3A_112] : memref<8208xf32, #tpu.memory_space<vmem>> -> memref<32xf32, #tpu.memory_space<vmem>>
    %dma_start3A_114 = tpu.memref_slice %arg11[%add3A_59] : memref<8192xf32, #tpu.memory_space<vmem_shared>> -> memref<32xf32, #tpu.memory_space<vmem_shared>>
    tpu.enqueue_dma source(%dma_start3A_114 : memref<32xf32, #tpu.memory_space<vmem_shared>>) target(%dma_start3A_113 : memref<32xf32, #tpu.memory_space<vmem>>) target_semaphore(%arg12 : memref<!tpu.dma_semaphore, #tpu.memory_space<semaphore_mem>>)
    %dma_start3A_115 = arith.constant 192 : i32
    %dma_start3A_116 = tpu.memref_slice %arg8[%dma_start3A_115] : memref<8208xf32, #tpu.memory_space<vmem>> -> memref<32xf32, #tpu.memory_space<vmem>>
    %dma_start3A_117 = tpu.memref_slice %arg11[%add3A_61] : memref<8192xf32, #tpu.memory_space<vmem_shared>> -> memref<32xf32, #tpu.memory_space<vmem_shared>>
    %dma_start3A_118 = arith.constant 192 : i32
    %dma_start3A_119 = tpu.memref_slice %arg8[%dma_start3A_118] : memref<8208xf32, #tpu.memory_space<vmem>> -> memref<32xf32, #tpu.memory_space<vmem>>
    %dma_start3A_120 = tpu.memref_slice %arg11[%add3A_61] : memref<8192xf32, #tpu.memory_space<vmem_shared>> -> memref<32xf32, #tpu.memory_space<vmem_shared>>
    tpu.enqueue_dma source(%dma_start3A_120 : memref<32xf32, #tpu.memory_space<vmem_shared>>) target(%dma_start3A_119 : memref<32xf32, #tpu.memory_space<vmem>>) target_semaphore(%arg12 : memref<!tpu.dma_semaphore, #tpu.memory_space<semaphore_mem>>)
    %dma_start3A_121 = arith.constant 224 : i32
    %dma_start3A_122 = tpu.memref_slice %arg8[%dma_start3A_121] : memref<8208xf32, #tpu.memory_space<vmem>> -> memref<32xf32, #tpu.memory_space<vmem>>
    %dma_start3A_123 = tpu.memref_slice %arg11[%add3A_63] : memref<8192xf32, #tpu.memory_space<vmem_shared>> -> memref<32xf32, #tpu.memory_space<vmem_shared>>
    %dma_start3A_124 = arith.constant 224 : i32
    %dma_start3A_125 = tpu.memref_slice %arg8[%dma_start3A_124] : memref<8208xf32, #tpu.memory_space<vmem>> -> memref<32xf32, #tpu.memory_space<vmem>>
    %dma_start3A_126 = tpu.memref_slice %arg11[%add3A_63] : memref<8192xf32, #tpu.memory_space<vmem_shared>> -> memref<32xf32, #tpu.memory_space<vmem_shared>>
    tpu.enqueue_dma source(%dma_start3A_126 : memref<32xf32, #tpu.memory_space<vmem_shared>>) target(%dma_start3A_125 : memref<32xf32, #tpu.memory_space<vmem>>) target_semaphore(%arg12 : memref<!tpu.dma_semaphore, #tpu.memory_space<semaphore_mem>>)
    %dma_start3A_127 = arith.constant 256 : i32
    %dma_start3A_128 = tpu.memref_slice %arg8[%dma_start3A_127] : memref<8208xf32, #tpu.memory_space<vmem>> -> memref<32xf32, #tpu.memory_space<vmem>>
    %dma_start3A_129 = tpu.memref_slice %arg11[%add3A_65] : memref<8192xf32, #tpu.memory_space<vmem_shared>> -> memref<32xf32, #tpu.memory_space<vmem_shared>>
    %dma_start3A_130 = arith.constant 256 : i32
    %dma_start3A_131 = tpu.memref_slice %arg8[%dma_start3A_130] : memref<8208xf32, #tpu.memory_space<vmem>> -> memref<32xf32, #tpu.memory_space<vmem>>
    %dma_start3A_132 = tpu.memref_slice %arg11[%add3A_65] : memref<8192xf32, #tpu.memory_space<vmem_shared>> -> memref<32xf32, #tpu.memory_space<vmem_shared>>
    tpu.enqueue_dma source(%dma_start3A_132 : memref<32xf32, #tpu.memory_space<vmem_shared>>) target(%dma_start3A_131 : memref<32xf32, #tpu.memory_space<vmem>>) target_semaphore(%arg12 : memref<!tpu.dma_semaphore, #tpu.memory_space<semaphore_mem>>)
    %dma_start3A_133 = arith.constant 288 : i32
    %dma_start3A_134 = tpu.memref_slice %arg8[%dma_start3A_133] : memref<8208xf32, #tpu.memory_space<vmem>> -> memref<32xf32, #tpu.memory_space<vmem>>
    %dma_start3A_135 = tpu.memref_slice %arg11[%add3A_67] : memref<8192xf32, #tpu.memory_space<vmem_shared>> -> memref<32xf32, #tpu.memory_space<vmem_shared>>
    %dma_start3A_136 = arith.constant 288 : i32
    %dma_start3A_137 = tpu.memref_slice %arg8[%dma_start3A_136] : memref<8208xf32, #tpu.memory_space<vmem>> -> memref<32xf32, #tpu.memory_space<vmem>>
    %dma_start3A_138 = tpu.memref_slice %arg11[%add3A_67] : memref<8192xf32, #tpu.memory_space<vmem_shared>> -> memref<32xf32, #tpu.memory_space<vmem_shared>>
    tpu.enqueue_dma source(%dma_start3A_138 : memref<32xf32, #tpu.memory_space<vmem_shared>>) target(%dma_start3A_137 : memref<32xf32, #tpu.memory_space<vmem>>) target_semaphore(%arg12 : memref<!tpu.dma_semaphore, #tpu.memory_space<semaphore_mem>>)
    %dma_start3A_139 = arith.constant 320 : i32
    %dma_start3A_140 = tpu.memref_slice %arg8[%dma_start3A_139] : memref<8208xf32, #tpu.memory_space<vmem>> -> memref<32xf32, #tpu.memory_space<vmem>>
    %dma_start3A_141 = tpu.memref_slice %arg11[%add3A_69] : memref<8192xf32, #tpu.memory_space<vmem_shared>> -> memref<32xf32, #tpu.memory_space<vmem_shared>>
    %dma_start3A_142 = arith.constant 320 : i32
    %dma_start3A_143 = tpu.memref_slice %arg8[%dma_start3A_142] : memref<8208xf32, #tpu.memory_space<vmem>> -> memref<32xf32, #tpu.memory_space<vmem>>
    %dma_start3A_144 = tpu.memref_slice %arg11[%add3A_69] : memref<8192xf32, #tpu.memory_space<vmem_shared>> -> memref<32xf32, #tpu.memory_space<vmem_shared>>
    tpu.enqueue_dma source(%dma_start3A_144 : memref<32xf32, #tpu.memory_space<vmem_shared>>) target(%dma_start3A_143 : memref<32xf32, #tpu.memory_space<vmem>>) target_semaphore(%arg12 : memref<!tpu.dma_semaphore, #tpu.memory_space<semaphore_mem>>)
    %dma_start3A_145 = arith.constant 352 : i32
    %dma_start3A_146 = tpu.memref_slice %arg8[%dma_start3A_145] : memref<8208xf32, #tpu.memory_space<vmem>> -> memref<32xf32, #tpu.memory_space<vmem>>
    %dma_start3A_147 = tpu.memref_slice %arg11[%add3A_71] : memref<8192xf32, #tpu.memory_space<vmem_shared>> -> memref<32xf32, #tpu.memory_space<vmem_shared>>
    %dma_start3A_148 = arith.constant 352 : i32
    %dma_start3A_149 = tpu.memref_slice %arg8[%dma_start3A_148] : memref<8208xf32, #tpu.memory_space<vmem>> -> memref<32xf32, #tpu.memory_space<vmem>>
    %dma_start3A_150 = tpu.memref_slice %arg11[%add3A_71] : memref<8192xf32, #tpu.memory_space<vmem_shared>> -> memref<32xf32, #tpu.memory_space<vmem_shared>>
    tpu.enqueue_dma source(%dma_start3A_150 : memref<32xf32, #tpu.memory_space<vmem_shared>>) target(%dma_start3A_149 : memref<32xf32, #tpu.memory_space<vmem>>) target_semaphore(%arg12 : memref<!tpu.dma_semaphore, #tpu.memory_space<semaphore_mem>>)
    %dma_start3A_151 = arith.constant 384 : i32
    %dma_start3A_152 = tpu.memref_slice %arg8[%dma_start3A_151] : memref<8208xf32, #tpu.memory_space<vmem>> -> memref<32xf32, #tpu.memory_space<vmem>>
    %dma_start3A_153 = tpu.memref_slice %arg11[%add3A_73] : memref<8192xf32, #tpu.memory_space<vmem_shared>> -> memref<32xf32, #tpu.memory_space<vmem_shared>>
    %dma_start3A_154 = arith.constant 384 : i32
    %dma_start3A_155 = tpu.memref_slice %arg8[%dma_start3A_154] : memref<8208xf32, #tpu.memory_space<vmem>> -> memref<32xf32, #tpu.memory_space<vmem>>
    %dma_start3A_156 = tpu.memref_slice %arg11[%add3A_73] : memref<8192xf32, #tpu.memory_space<vmem_shared>> -> memref<32xf32, #tpu.memory_space<vmem_shared>>
    tpu.enqueue_dma source(%dma_start3A_156 : memref<32xf32, #tpu.memory_space<vmem_shared>>) target(%dma_start3A_155 : memref<32xf32, #tpu.memory_space<vmem>>) target_semaphore(%arg12 : memref<!tpu.dma_semaphore, #tpu.memory_space<semaphore_mem>>)
    %dma_start3A_157 = arith.constant 416 : i32
    %dma_start3A_158 = tpu.memref_slice %arg8[%dma_start3A_157] : memref<8208xf32, #tpu.memory_space<vmem>> -> memref<32xf32, #tpu.memory_space<vmem>>
    %dma_start3A_159 = tpu.memref_slice %arg11[%add3A_75] : memref<8192xf32, #tpu.memory_space<vmem_shared>> -> memref<32xf32, #tpu.memory_space<vmem_shared>>
    %dma_start3A_160 = arith.constant 416 : i32
    %dma_start3A_161 = tpu.memref_slice %arg8[%dma_start3A_160] : memref<8208xf32, #tpu.memory_space<vmem>> -> memref<32xf32, #tpu.memory_space<vmem>>
    %dma_start3A_162 = tpu.memref_slice %arg11[%add3A_75] : memref<8192xf32, #tpu.memory_space<vmem_shared>> -> memref<32xf32, #tpu.memory_space<vmem_shared>>
    tpu.enqueue_dma source(%dma_start3A_162 : memref<32xf32, #tpu.memory_space<vmem_shared>>) target(%dma_start3A_161 : memref<32xf32, #tpu.memory_space<vmem>>) target_semaphore(%arg12 : memref<!tpu.dma_semaphore, #tpu.memory_space<semaphore_mem>>)
    %dma_start3A_163 = arith.constant 448 : i32
    %dma_start3A_164 = tpu.memref_slice %arg8[%dma_start3A_163] : memref<8208xf32, #tpu.memory_space<vmem>> -> memref<32xf32, #tpu.memory_space<vmem>>
    %dma_start3A_165 = tpu.memref_slice %arg11[%add3A_77] : memref<8192xf32, #tpu.memory_space<vmem_shared>> -> memref<32xf32, #tpu.memory_space<vmem_shared>>
    %dma_start3A_166 = arith.constant 448 : i32
    %dma_start3A_167 = tpu.memref_slice %arg8[%dma_start3A_166] : memref<8208xf32, #tpu.memory_space<vmem>> -> memref<32xf32, #tpu.memory_space<vmem>>
    %dma_start3A_168 = tpu.memref_slice %arg11[%add3A_77] : memref<8192xf32, #tpu.memory_space<vmem_shared>> -> memref<32xf32, #tpu.memory_space<vmem_shared>>
    tpu.enqueue_dma source(%dma_start3A_168 : memref<32xf32, #tpu.memory_space<vmem_shared>>) target(%dma_start3A_167 : memref<32xf32, #tpu.memory_space<vmem>>) target_semaphore(%arg12 : memref<!tpu.dma_semaphore, #tpu.memory_space<semaphore_mem>>)
    %dma_start3A_169 = arith.constant 480 : i32
    %dma_start3A_170 = tpu.memref_slice %arg8[%dma_start3A_169] : memref<8208xf32, #tpu.memory_space<vmem>> -> memref<32xf32, #tpu.memory_space<vmem>>
    %dma_start3A_171 = tpu.memref_slice %arg11[%add3A_79] : memref<8192xf32, #tpu.memory_space<vmem_shared>> -> memref<32xf32, #tpu.memory_space<vmem_shared>>
    %dma_start3A_172 = arith.constant 480 : i32
    %dma_start3A_173 = tpu.memref_slice %arg8[%dma_start3A_172] : memref<8208xf32, #tpu.memory_space<vmem>> -> memref<32xf32, #tpu.memory_space<vmem>>
    %dma_start3A_174 = tpu.memref_slice %arg11[%add3A_79] : memref<8192xf32, #tpu.memory_space<vmem_shared>> -> memref<32xf32, #tpu.memory_space<vmem_shared>>
    tpu.enqueue_dma source(%dma_start3A_174 : memref<32xf32, #tpu.memory_space<vmem_shared>>) target(%dma_start3A_173 : memref<32xf32, #tpu.memory_space<vmem>>) target_semaphore(%arg12 : memref<!tpu.dma_semaphore, #tpu.memory_space<semaphore_mem>>)
    "tpu.region"() ({
      %run_scoped3A = tpu.sem_alloc : memref<!tpu.dma_semaphore, #tpu.memory_space<semaphore_mem>>
      %dma_start3A_379 = arith.constant 0 : i32
      %dma_start3A_380 = tpu.memref_slice %arg10[%dma_start3A_379] : memref<16xf32, #tpu.memory_space<vmem>> -> memref<1xf32, #tpu.memory_space<vmem>>
      %dma_start3A_381 = arith.constant 0 : i32
      %dma_start3A_382 = tpu.memref_slice %arg10[%dma_start3A_381] : memref<16xf32, #tpu.memory_space<vmem>> -> memref<1xf32, #tpu.memory_space<vmem>>
      tpu.enqueue_dma source(%arg4 : memref<1xf32, #tpu.memory_space<hbm>>) target(%dma_start3A_382 : memref<1xf32, #tpu.memory_space<vmem>>) target_semaphore(%run_scoped3A : memref<!tpu.dma_semaphore, #tpu.memory_space<semaphore_mem>>)
      %dma_wait3A_383 = arith.constant 0 : i32
      %dma_wait3A_384 = tpu.memref_slice %arg10[%dma_wait3A_383] : memref<16xf32, #tpu.memory_space<vmem>> -> memref<1xf32, #tpu.memory_space<vmem>>
      %dma_wait3A_385 = arith.constant 0 : i32
      %dma_wait3A_386 = tpu.memref_slice %arg10[%dma_wait3A_385] : memref<16xf32, #tpu.memory_space<vmem>> -> memref<1xf32, #tpu.memory_space<vmem>>
      tpu.wait_dma2 semaphore(%run_scoped3A : memref<!tpu.dma_semaphore, #tpu.memory_space<semaphore_mem>>) src(%arg4 : memref<1xf32, #tpu.memory_space<hbm>>) dst(%dma_wait3A_386 : memref<1xf32, #tpu.memory_space<vmem>>)
      tpu.yield
    }) : () -> ()
    %dma_wait3A = arith.constant 0 : i32
    %dma_wait3A_175 = tpu.memref_slice %arg8[%dma_wait3A] : memref<8208xf32, #tpu.memory_space<vmem>> -> memref<32xf32, #tpu.memory_space<vmem>>
    %dma_wait3A_176 = tpu.memref_slice %arg11[%add3A_49] : memref<8192xf32, #tpu.memory_space<vmem_shared>> -> memref<32xf32, #tpu.memory_space<vmem_shared>>
    %dma_wait3A_177 = arith.constant 0 : i32
    %dma_wait3A_178 = tpu.memref_slice %arg8[%dma_wait3A_177] : memref<8208xf32, #tpu.memory_space<vmem>> -> memref<32xf32, #tpu.memory_space<vmem>>
    %dma_wait3A_179 = tpu.memref_slice %arg11[%add3A_49] : memref<8192xf32, #tpu.memory_space<vmem_shared>> -> memref<32xf32, #tpu.memory_space<vmem_shared>>
    tpu.wait_dma2 semaphore(%arg12 : memref<!tpu.dma_semaphore, #tpu.memory_space<semaphore_mem>>) src(%dma_wait3A_179 : memref<32xf32, #tpu.memory_space<vmem_shared>>) dst(%dma_wait3A_178 : memref<32xf32, #tpu.memory_space<vmem>>)
    %dma_wait3A_180 = arith.constant 32 : i32
    %dma_wait3A_181 = tpu.memref_slice %arg8[%dma_wait3A_180] : memref<8208xf32, #tpu.memory_space<vmem>> -> memref<32xf32, #tpu.memory_space<vmem>>
    %dma_wait3A_182 = tpu.memref_slice %arg11[%add3A_51] : memref<8192xf32, #tpu.memory_space<vmem_shared>> -> memref<32xf32, #tpu.memory_space<vmem_shared>>
    %dma_wait3A_183 = arith.constant 32 : i32
    %dma_wait3A_184 = tpu.memref_slice %arg8[%dma_wait3A_183] : memref<8208xf32, #tpu.memory_space<vmem>> -> memref<32xf32, #tpu.memory_space<vmem>>
    %dma_wait3A_185 = tpu.memref_slice %arg11[%add3A_51] : memref<8192xf32, #tpu.memory_space<vmem_shared>> -> memref<32xf32, #tpu.memory_space<vmem_shared>>
    tpu.wait_dma2 semaphore(%arg12 : memref<!tpu.dma_semaphore, #tpu.memory_space<semaphore_mem>>) src(%dma_wait3A_185 : memref<32xf32, #tpu.memory_space<vmem_shared>>) dst(%dma_wait3A_184 : memref<32xf32, #tpu.memory_space<vmem>>)
    %dma_wait3A_186 = arith.constant 64 : i32
    %dma_wait3A_187 = tpu.memref_slice %arg8[%dma_wait3A_186] : memref<8208xf32, #tpu.memory_space<vmem>> -> memref<32xf32, #tpu.memory_space<vmem>>
    %dma_wait3A_188 = tpu.memref_slice %arg11[%add3A_53] : memref<8192xf32, #tpu.memory_space<vmem_shared>> -> memref<32xf32, #tpu.memory_space<vmem_shared>>
    %dma_wait3A_189 = arith.constant 64 : i32
    %dma_wait3A_190 = tpu.memref_slice %arg8[%dma_wait3A_189] : memref<8208xf32, #tpu.memory_space<vmem>> -> memref<32xf32, #tpu.memory_space<vmem>>
    %dma_wait3A_191 = tpu.memref_slice %arg11[%add3A_53] : memref<8192xf32, #tpu.memory_space<vmem_shared>> -> memref<32xf32, #tpu.memory_space<vmem_shared>>
    tpu.wait_dma2 semaphore(%arg12 : memref<!tpu.dma_semaphore, #tpu.memory_space<semaphore_mem>>) src(%dma_wait3A_191 : memref<32xf32, #tpu.memory_space<vmem_shared>>) dst(%dma_wait3A_190 : memref<32xf32, #tpu.memory_space<vmem>>)
    %dma_wait3A_192 = arith.constant 96 : i32
    %dma_wait3A_193 = tpu.memref_slice %arg8[%dma_wait3A_192] : memref<8208xf32, #tpu.memory_space<vmem>> -> memref<32xf32, #tpu.memory_space<vmem>>
    %dma_wait3A_194 = tpu.memref_slice %arg11[%add3A_55] : memref<8192xf32, #tpu.memory_space<vmem_shared>> -> memref<32xf32, #tpu.memory_space<vmem_shared>>
    %dma_wait3A_195 = arith.constant 96 : i32
    %dma_wait3A_196 = tpu.memref_slice %arg8[%dma_wait3A_195] : memref<8208xf32, #tpu.memory_space<vmem>> -> memref<32xf32, #tpu.memory_space<vmem>>
    %dma_wait3A_197 = tpu.memref_slice %arg11[%add3A_55] : memref<8192xf32, #tpu.memory_space<vmem_shared>> -> memref<32xf32, #tpu.memory_space<vmem_shared>>
    tpu.wait_dma2 semaphore(%arg12 : memref<!tpu.dma_semaphore, #tpu.memory_space<semaphore_mem>>) src(%dma_wait3A_197 : memref<32xf32, #tpu.memory_space<vmem_shared>>) dst(%dma_wait3A_196 : memref<32xf32, #tpu.memory_space<vmem>>)
    %dma_wait3A_198 = arith.constant 128 : i32
    %dma_wait3A_199 = tpu.memref_slice %arg8[%dma_wait3A_198] : memref<8208xf32, #tpu.memory_space<vmem>> -> memref<32xf32, #tpu.memory_space<vmem>>
    %dma_wait3A_200 = tpu.memref_slice %arg11[%add3A_57] : memref<8192xf32, #tpu.memory_space<vmem_shared>> -> memref<32xf32, #tpu.memory_space<vmem_shared>>
    %dma_wait3A_201 = arith.constant 128 : i32
    %dma_wait3A_202 = tpu.memref_slice %arg8[%dma_wait3A_201] : memref<8208xf32, #tpu.memory_space<vmem>> -> memref<32xf32, #tpu.memory_space<vmem>>
    %dma_wait3A_203 = tpu.memref_slice %arg11[%add3A_57] : memref<8192xf32, #tpu.memory_space<vmem_shared>> -> memref<32xf32, #tpu.memory_space<vmem_shared>>
    tpu.wait_dma2 semaphore(%arg12 : memref<!tpu.dma_semaphore, #tpu.memory_space<semaphore_mem>>) src(%dma_wait3A_203 : memref<32xf32, #tpu.memory_space<vmem_shared>>) dst(%dma_wait3A_202 : memref<32xf32, #tpu.memory_space<vmem>>)
    %dma_wait3A_204 = arith.constant 160 : i32
    %dma_wait3A_205 = tpu.memref_slice %arg8[%dma_wait3A_204] : memref<8208xf32, #tpu.memory_space<vmem>> -> memref<32xf32, #tpu.memory_space<vmem>>
    %dma_wait3A_206 = tpu.memref_slice %arg11[%add3A_59] : memref<8192xf32, #tpu.memory_space<vmem_shared>> -> memref<32xf32, #tpu.memory_space<vmem_shared>>
    %dma_wait3A_207 = arith.constant 160 : i32
    %dma_wait3A_208 = tpu.memref_slice %arg8[%dma_wait3A_207] : memref<8208xf32, #tpu.memory_space<vmem>> -> memref<32xf32, #tpu.memory_space<vmem>>
    %dma_wait3A_209 = tpu.memref_slice %arg11[%add3A_59] : memref<8192xf32, #tpu.memory_space<vmem_shared>> -> memref<32xf32, #tpu.memory_space<vmem_shared>>
    tpu.wait_dma2 semaphore(%arg12 : memref<!tpu.dma_semaphore, #tpu.memory_space<semaphore_mem>>) src(%dma_wait3A_209 : memref<32xf32, #tpu.memory_space<vmem_shared>>) dst(%dma_wait3A_208 : memref<32xf32, #tpu.memory_space<vmem>>)
    %dma_wait3A_210 = arith.constant 192 : i32
    %dma_wait3A_211 = tpu.memref_slice %arg8[%dma_wait3A_210] : memref<8208xf32, #tpu.memory_space<vmem>> -> memref<32xf32, #tpu.memory_space<vmem>>
    %dma_wait3A_212 = tpu.memref_slice %arg11[%add3A_61] : memref<8192xf32, #tpu.memory_space<vmem_shared>> -> memref<32xf32, #tpu.memory_space<vmem_shared>>
    %dma_wait3A_213 = arith.constant 192 : i32
    %dma_wait3A_214 = tpu.memref_slice %arg8[%dma_wait3A_213] : memref<8208xf32, #tpu.memory_space<vmem>> -> memref<32xf32, #tpu.memory_space<vmem>>
    %dma_wait3A_215 = tpu.memref_slice %arg11[%add3A_61] : memref<8192xf32, #tpu.memory_space<vmem_shared>> -> memref<32xf32, #tpu.memory_space<vmem_shared>>
    tpu.wait_dma2 semaphore(%arg12 : memref<!tpu.dma_semaphore, #tpu.memory_space<semaphore_mem>>) src(%dma_wait3A_215 : memref<32xf32, #tpu.memory_space<vmem_shared>>) dst(%dma_wait3A_214 : memref<32xf32, #tpu.memory_space<vmem>>)
    %dma_wait3A_216 = arith.constant 224 : i32
    %dma_wait3A_217 = tpu.memref_slice %arg8[%dma_wait3A_216] : memref<8208xf32, #tpu.memory_space<vmem>> -> memref<32xf32, #tpu.memory_space<vmem>>
    %dma_wait3A_218 = tpu.memref_slice %arg11[%add3A_63] : memref<8192xf32, #tpu.memory_space<vmem_shared>> -> memref<32xf32, #tpu.memory_space<vmem_shared>>
    %dma_wait3A_219 = arith.constant 224 : i32
    %dma_wait3A_220 = tpu.memref_slice %arg8[%dma_wait3A_219] : memref<8208xf32, #tpu.memory_space<vmem>> -> memref<32xf32, #tpu.memory_space<vmem>>
    %dma_wait3A_221 = tpu.memref_slice %arg11[%add3A_63] : memref<8192xf32, #tpu.memory_space<vmem_shared>> -> memref<32xf32, #tpu.memory_space<vmem_shared>>
    tpu.wait_dma2 semaphore(%arg12 : memref<!tpu.dma_semaphore, #tpu.memory_space<semaphore_mem>>) src(%dma_wait3A_221 : memref<32xf32, #tpu.memory_space<vmem_shared>>) dst(%dma_wait3A_220 : memref<32xf32, #tpu.memory_space<vmem>>)
    %dma_wait3A_222 = arith.constant 256 : i32
    %dma_wait3A_223 = tpu.memref_slice %arg8[%dma_wait3A_222] : memref<8208xf32, #tpu.memory_space<vmem>> -> memref<32xf32, #tpu.memory_space<vmem>>
    %dma_wait3A_224 = tpu.memref_slice %arg11[%add3A_65] : memref<8192xf32, #tpu.memory_space<vmem_shared>> -> memref<32xf32, #tpu.memory_space<vmem_shared>>
    %dma_wait3A_225 = arith.constant 256 : i32
    %dma_wait3A_226 = tpu.memref_slice %arg8[%dma_wait3A_225] : memref<8208xf32, #tpu.memory_space<vmem>> -> memref<32xf32, #tpu.memory_space<vmem>>
    %dma_wait3A_227 = tpu.memref_slice %arg11[%add3A_65] : memref<8192xf32, #tpu.memory_space<vmem_shared>> -> memref<32xf32, #tpu.memory_space<vmem_shared>>
    tpu.wait_dma2 semaphore(%arg12 : memref<!tpu.dma_semaphore, #tpu.memory_space<semaphore_mem>>) src(%dma_wait3A_227 : memref<32xf32, #tpu.memory_space<vmem_shared>>) dst(%dma_wait3A_226 : memref<32xf32, #tpu.memory_space<vmem>>)
    %dma_wait3A_228 = arith.constant 288 : i32
    %dma_wait3A_229 = tpu.memref_slice %arg8[%dma_wait3A_228] : memref<8208xf32, #tpu.memory_space<vmem>> -> memref<32xf32, #tpu.memory_space<vmem>>
    %dma_wait3A_230 = tpu.memref_slice %arg11[%add3A_67] : memref<8192xf32, #tpu.memory_space<vmem_shared>> -> memref<32xf32, #tpu.memory_space<vmem_shared>>
    %dma_wait3A_231 = arith.constant 288 : i32
    %dma_wait3A_232 = tpu.memref_slice %arg8[%dma_wait3A_231] : memref<8208xf32, #tpu.memory_space<vmem>> -> memref<32xf32, #tpu.memory_space<vmem>>
    %dma_wait3A_233 = tpu.memref_slice %arg11[%add3A_67] : memref<8192xf32, #tpu.memory_space<vmem_shared>> -> memref<32xf32, #tpu.memory_space<vmem_shared>>
    tpu.wait_dma2 semaphore(%arg12 : memref<!tpu.dma_semaphore, #tpu.memory_space<semaphore_mem>>) src(%dma_wait3A_233 : memref<32xf32, #tpu.memory_space<vmem_shared>>) dst(%dma_wait3A_232 : memref<32xf32, #tpu.memory_space<vmem>>)
    %dma_wait3A_234 = arith.constant 320 : i32
    %dma_wait3A_235 = tpu.memref_slice %arg8[%dma_wait3A_234] : memref<8208xf32, #tpu.memory_space<vmem>> -> memref<32xf32, #tpu.memory_space<vmem>>
    %dma_wait3A_236 = tpu.memref_slice %arg11[%add3A_69] : memref<8192xf32, #tpu.memory_space<vmem_shared>> -> memref<32xf32, #tpu.memory_space<vmem_shared>>
    %dma_wait3A_237 = arith.constant 320 : i32
    %dma_wait3A_238 = tpu.memref_slice %arg8[%dma_wait3A_237] : memref<8208xf32, #tpu.memory_space<vmem>> -> memref<32xf32, #tpu.memory_space<vmem>>
    %dma_wait3A_239 = tpu.memref_slice %arg11[%add3A_69] : memref<8192xf32, #tpu.memory_space<vmem_shared>> -> memref<32xf32, #tpu.memory_space<vmem_shared>>
    tpu.wait_dma2 semaphore(%arg12 : memref<!tpu.dma_semaphore, #tpu.memory_space<semaphore_mem>>) src(%dma_wait3A_239 : memref<32xf32, #tpu.memory_space<vmem_shared>>) dst(%dma_wait3A_238 : memref<32xf32, #tpu.memory_space<vmem>>)
    %dma_wait3A_240 = arith.constant 352 : i32
    %dma_wait3A_241 = tpu.memref_slice %arg8[%dma_wait3A_240] : memref<8208xf32, #tpu.memory_space<vmem>> -> memref<32xf32, #tpu.memory_space<vmem>>
    %dma_wait3A_242 = tpu.memref_slice %arg11[%add3A_71] : memref<8192xf32, #tpu.memory_space<vmem_shared>> -> memref<32xf32, #tpu.memory_space<vmem_shared>>
    %dma_wait3A_243 = arith.constant 352 : i32
    %dma_wait3A_244 = tpu.memref_slice %arg8[%dma_wait3A_243] : memref<8208xf32, #tpu.memory_space<vmem>> -> memref<32xf32, #tpu.memory_space<vmem>>
    %dma_wait3A_245 = tpu.memref_slice %arg11[%add3A_71] : memref<8192xf32, #tpu.memory_space<vmem_shared>> -> memref<32xf32, #tpu.memory_space<vmem_shared>>
    tpu.wait_dma2 semaphore(%arg12 : memref<!tpu.dma_semaphore, #tpu.memory_space<semaphore_mem>>) src(%dma_wait3A_245 : memref<32xf32, #tpu.memory_space<vmem_shared>>) dst(%dma_wait3A_244 : memref<32xf32, #tpu.memory_space<vmem>>)
    %dma_wait3A_246 = arith.constant 384 : i32
    %dma_wait3A_247 = tpu.memref_slice %arg8[%dma_wait3A_246] : memref<8208xf32, #tpu.memory_space<vmem>> -> memref<32xf32, #tpu.memory_space<vmem>>
    %dma_wait3A_248 = tpu.memref_slice %arg11[%add3A_73] : memref<8192xf32, #tpu.memory_space<vmem_shared>> -> memref<32xf32, #tpu.memory_space<vmem_shared>>
    %dma_wait3A_249 = arith.constant 384 : i32
    %dma_wait3A_250 = tpu.memref_slice %arg8[%dma_wait3A_249] : memref<8208xf32, #tpu.memory_space<vmem>> -> memref<32xf32, #tpu.memory_space<vmem>>
    %dma_wait3A_251 = tpu.memref_slice %arg11[%add3A_73] : memref<8192xf32, #tpu.memory_space<vmem_shared>> -> memref<32xf32, #tpu.memory_space<vmem_shared>>
    tpu.wait_dma2 semaphore(%arg12 : memref<!tpu.dma_semaphore, #tpu.memory_space<semaphore_mem>>) src(%dma_wait3A_251 : memref<32xf32, #tpu.memory_space<vmem_shared>>) dst(%dma_wait3A_250 : memref<32xf32, #tpu.memory_space<vmem>>)
    %dma_wait3A_252 = arith.constant 416 : i32
    %dma_wait3A_253 = tpu.memref_slice %arg8[%dma_wait3A_252] : memref<8208xf32, #tpu.memory_space<vmem>> -> memref<32xf32, #tpu.memory_space<vmem>>
    %dma_wait3A_254 = tpu.memref_slice %arg11[%add3A_75] : memref<8192xf32, #tpu.memory_space<vmem_shared>> -> memref<32xf32, #tpu.memory_space<vmem_shared>>
    %dma_wait3A_255 = arith.constant 416 : i32
    %dma_wait3A_256 = tpu.memref_slice %arg8[%dma_wait3A_255] : memref<8208xf32, #tpu.memory_space<vmem>> -> memref<32xf32, #tpu.memory_space<vmem>>
    %dma_wait3A_257 = tpu.memref_slice %arg11[%add3A_75] : memref<8192xf32, #tpu.memory_space<vmem_shared>> -> memref<32xf32, #tpu.memory_space<vmem_shared>>
    tpu.wait_dma2 semaphore(%arg12 : memref<!tpu.dma_semaphore, #tpu.memory_space<semaphore_mem>>) src(%dma_wait3A_257 : memref<32xf32, #tpu.memory_space<vmem_shared>>) dst(%dma_wait3A_256 : memref<32xf32, #tpu.memory_space<vmem>>)
    %dma_wait3A_258 = arith.constant 448 : i32
    %dma_wait3A_259 = tpu.memref_slice %arg8[%dma_wait3A_258] : memref<8208xf32, #tpu.memory_space<vmem>> -> memref<32xf32, #tpu.memory_space<vmem>>
    %dma_wait3A_260 = tpu.memref_slice %arg11[%add3A_77] : memref<8192xf32, #tpu.memory_space<vmem_shared>> -> memref<32xf32, #tpu.memory_space<vmem_shared>>
    %dma_wait3A_261 = arith.constant 448 : i32
    %dma_wait3A_262 = tpu.memref_slice %arg8[%dma_wait3A_261] : memref<8208xf32, #tpu.memory_space<vmem>> -> memref<32xf32, #tpu.memory_space<vmem>>
    %dma_wait3A_263 = tpu.memref_slice %arg11[%add3A_77] : memref<8192xf32, #tpu.memory_space<vmem_shared>> -> memref<32xf32, #tpu.memory_space<vmem_shared>>
    tpu.wait_dma2 semaphore(%arg12 : memref<!tpu.dma_semaphore, #tpu.memory_space<semaphore_mem>>) src(%dma_wait3A_263 : memref<32xf32, #tpu.memory_space<vmem_shared>>) dst(%dma_wait3A_262 : memref<32xf32, #tpu.memory_space<vmem>>)
    %dma_wait3A_264 = arith.constant 480 : i32
    %dma_wait3A_265 = tpu.memref_slice %arg8[%dma_wait3A_264] : memref<8208xf32, #tpu.memory_space<vmem>> -> memref<32xf32, #tpu.memory_space<vmem>>
    %dma_wait3A_266 = tpu.memref_slice %arg11[%add3A_79] : memref<8192xf32, #tpu.memory_space<vmem_shared>> -> memref<32xf32, #tpu.memory_space<vmem_shared>>
    %dma_wait3A_267 = arith.constant 480 : i32
    %dma_wait3A_268 = tpu.memref_slice %arg8[%dma_wait3A_267] : memref<8208xf32, #tpu.memory_space<vmem>> -> memref<32xf32, #tpu.memory_space<vmem>>
    %dma_wait3A_269 = tpu.memref_slice %arg11[%add3A_79] : memref<8192xf32, #tpu.memory_space<vmem_shared>> -> memref<32xf32, #tpu.memory_space<vmem_shared>>
    tpu.wait_dma2 semaphore(%arg12 : memref<!tpu.dma_semaphore, #tpu.memory_space<semaphore_mem>>) src(%dma_wait3A_269 : memref<32xf32, #tpu.memory_space<vmem_shared>>) dst(%dma_wait3A_268 : memref<32xf32, #tpu.memory_space<vmem>>)
    %get3A = arith.constant 0 : index
    %get3A_270 = tpu.vector_load %arg10[%get3A] {strides = array<i32>} : memref<16xf32, #tpu.memory_space<vmem>>, vector<16xf32>,
    %slice3A = vector.extract_strided_slice %get3A_270 {offsets = [0], sizes = [1], strides = [1]} : vector<16xf32> to vector<1xf32>
    %squeeze3A = vector.extract %slice3A[0] : f32 from vector<1xf32>
    %broadcast_in_dim3A_271 = arith.constant 0.000000e+00 : f32
    %broadcast_in_dim3A_272 = vector.broadcast %broadcast_in_dim3A_271 : f32 to vector<16xf32>
    %add3A_273 = vector.broadcast %squeeze3A : f32 to vector<16xf32>
    %add3A_274 = arith.addf %broadcast_in_dim3A_272, %add3A_273 : vector<16xf32>
    %get3A_275 = arith.constant 0 : index
    %get3A_276 = tpu.vector_load %arg8[%get3A_275] {strides = array<i32>} : memref<8208xf32, #tpu.memory_space<vmem>>, vector<16xf32>,
    %add3A_277 = arith.addf %add3A_274, %get3A_276 : vector<16xf32>
    %get3A_278 = arith.constant 32 : index
    %get3A_279 = tpu.vector_load %arg8[%get3A_278] {strides = array<i32>} : memref<8208xf32, #tpu.memory_space<vmem>>, vector<16xf32>,
    %add3A_280 = arith.addf %add3A_277, %get3A_279 : vector<16xf32>
    %get3A_281 = arith.constant 64 : index
    %get3A_282 = tpu.vector_load %arg8[%get3A_281] {strides = array<i32>} : memref<8208xf32, #tpu.memory_space<vmem>>, vector<16xf32>,
    %add3A_283 = arith.addf %add3A_280, %get3A_282 : vector<16xf32>
    %get3A_284 = arith.constant 96 : index
    %get3A_285 = tpu.vector_load %arg8[%get3A_284] {strides = array<i32>} : memref<8208xf32, #tpu.memory_space<vmem>>, vector<16xf32>,
    %add3A_286 = arith.addf %add3A_283, %get3A_285 : vector<16xf32>
    %get3A_287 = arith.constant 128 : index
    %get3A_288 = tpu.vector_load %arg8[%get3A_287] {strides = array<i32>} : memref<8208xf32, #tpu.memory_space<vmem>>, vector<16xf32>,
    %add3A_289 = arith.addf %add3A_286, %get3A_288 : vector<16xf32>
    %get3A_290 = arith.constant 160 : index
    %get3A_291 = tpu.vector_load %arg8[%get3A_290] {strides = array<i32>} : memref<8208xf32, #tpu.memory_space<vmem>>, vector<16xf32>,
    %add3A_292 = arith.addf %add3A_289, %get3A_291 : vector<16xf32>
    %get3A_293 = arith.constant 192 : index
    %get3A_294 = tpu.vector_load %arg8[%get3A_293] {strides = array<i32>} : memref<8208xf32, #tpu.memory_space<vmem>>, vector<16xf32>,
    %add3A_295 = arith.addf %add3A_292, %get3A_294 : vector<16xf32>
    %get3A_296 = arith.constant 224 : index
    %get3A_297 = tpu.vector_load %arg8[%get3A_296] {strides = array<i32>} : memref<8208xf32, #tpu.memory_space<vmem>>, vector<16xf32>,
    %add3A_298 = arith.addf %add3A_295, %get3A_297 : vector<16xf32>
    %get3A_299 = arith.constant 256 : index
    %get3A_300 = tpu.vector_load %arg8[%get3A_299] {strides = array<i32>} : memref<8208xf32, #tpu.memory_space<vmem>>, vector<16xf32>,
    %add3A_301 = arith.addf %add3A_298, %get3A_300 : vector<16xf32>
    %get3A_302 = arith.constant 288 : index
    %get3A_303 = tpu.vector_load %arg8[%get3A_302] {strides = array<i32>} : memref<8208xf32, #tpu.memory_space<vmem>>, vector<16xf32>,
    %add3A_304 = arith.addf %add3A_301, %get3A_303 : vector<16xf32>
    %get3A_305 = arith.constant 320 : index
    %get3A_306 = tpu.vector_load %arg8[%get3A_305] {strides = array<i32>} : memref<8208xf32, #tpu.memory_space<vmem>>, vector<16xf32>,
    %add3A_307 = arith.addf %add3A_304, %get3A_306 : vector<16xf32>
    %get3A_308 = arith.constant 352 : index
    %get3A_309 = tpu.vector_load %arg8[%get3A_308] {strides = array<i32>} : memref<8208xf32, #tpu.memory_space<vmem>>, vector<16xf32>,
    %add3A_310 = arith.addf %add3A_307, %get3A_309 : vector<16xf32>
    %get3A_311 = arith.constant 384 : index
    %get3A_312 = tpu.vector_load %arg8[%get3A_311] {strides = array<i32>} : memref<8208xf32, #tpu.memory_space<vmem>>, vector<16xf32>,
    %add3A_313 = arith.addf %add3A_310, %get3A_312 : vector<16xf32>
    %get3A_314 = arith.constant 416 : index
    %get3A_315 = tpu.vector_load %arg8[%get3A_314] {strides = array<i32>} : memref<8208xf32, #tpu.memory_space<vmem>>, vector<16xf32>,
    %add3A_316 = arith.addf %add3A_313, %get3A_315 : vector<16xf32>
    %get3A_317 = arith.constant 448 : index
    %get3A_318 = tpu.vector_load %arg8[%get3A_317] {strides = array<i32>} : memref<8208xf32, #tpu.memory_space<vmem>>, vector<16xf32>,
    %add3A_319 = arith.addf %add3A_316, %get3A_318 : vector<16xf32>
    %get3A_320 = arith.constant 480 : index
    %get3A_321 = tpu.vector_load %arg8[%get3A_320] {strides = array<i32>} : memref<8208xf32, #tpu.memory_space<vmem>>, vector<16xf32>,
    %add3A_322 = arith.addf %add3A_319, %get3A_321 : vector<16xf32>
    %swap3A_323 = arith.constant 0 : index
    %swap3A_324 = tpu.vector_load %arg9[%swap3A_323] {strides = array<i32>} : memref<512xf32, #tpu.memory_space<vmem>>, vector<16xf32>,
    tpu.vector_store %arg9[%swap3A_323], %add3A_322 {strides = array<i32>} : memref<512xf32, #tpu.memory_space<vmem>>, vector<16xf32>,
    %broadcast_in_dim3A_325 = arith.constant 0.000000e+00 : f32
    %broadcast_in_dim3A_326 = vector.broadcast %broadcast_in_dim3A_325 : f32 to vector<16xf32>
    %add3A_327 = vector.broadcast %squeeze3A : f32 to vector<16xf32>
    %add3A_328 = arith.addf %broadcast_in_dim3A_326, %add3A_327 : vector<16xf32>
    %get3A_329 = arith.constant 16 : index
    %get3A_330 = tpu.vector_load %arg8[%get3A_329] {strides = array<i32>} : memref<8208xf32, #tpu.memory_space<vmem>>, vector<16xf32>,
    %add3A_331 = arith.addf %add3A_328, %get3A_330 : vector<16xf32>
    %get3A_332 = arith.constant 48 : index
    %get3A_333 = tpu.vector_load %arg8[%get3A_332] {strides = array<i32>} : memref<8208xf32, #tpu.memory_space<vmem>>, vector<16xf32>,
    %add3A_334 = arith.addf %add3A_331, %get3A_333 : vector<16xf32>
    %get3A_335 = arith.constant 80 : index
    %get3A_336 = tpu.vector_load %arg8[%get3A_335] {strides = array<i32>} : memref<8208xf32, #tpu.memory_space<vmem>>, vector<16xf32>,
    %add3A_337 = arith.addf %add3A_334, %get3A_336 : vector<16xf32>
    %get3A_338 = arith.constant 112 : index
    %get3A_339 = tpu.vector_load %arg8[%get3A_338] {strides = array<i32>} : memref<8208xf32, #tpu.memory_space<vmem>>, vector<16xf32>,
    %add3A_340 = arith.addf %add3A_337, %get3A_339 : vector<16xf32>
    %get3A_341 = arith.constant 144 : index
    %get3A_342 = tpu.vector_load %arg8[%get3A_341] {strides = array<i32>} : memref<8208xf32, #tpu.memory_space<vmem>>, vector<16xf32>,
    %add3A_343 = arith.addf %add3A_340, %get3A_342 : vector<16xf32>
    %get3A_344 = arith.constant 176 : index
    %get3A_345 = tpu.vector_load %arg8[%get3A_344] {strides = array<i32>} : memref<8208xf32, #tpu.memory_space<vmem>>, vector<16xf32>,
    %add3A_346 = arith.addf %add3A_343, %get3A_345 : vector<16xf32>
    %get3A_347 = arith.constant 208 : index
    %get3A_348 = tpu.vector_load %arg8[%get3A_347] {strides = array<i32>} : memref<8208xf32, #tpu.memory_space<vmem>>, vector<16xf32>,
    %add3A_349 = arith.addf %add3A_346, %get3A_348 : vector<16xf32>
    %get3A_350 = arith.constant 240 : index
    %get3A_351 = tpu.vector_load %arg8[%get3A_350] {strides = array<i32>} : memref<8208xf32, #tpu.memory_space<vmem>>, vector<16xf32>,
    %add3A_352 = arith.addf %add3A_349, %get3A_351 : vector<16xf32>
    %get3A_353 = arith.constant 272 : index
    %get3A_354 = tpu.vector_load %arg8[%get3A_353] {strides = array<i32>} : memref<8208xf32, #tpu.memory_space<vmem>>, vector<16xf32>,
    %add3A_355 = arith.addf %add3A_352, %get3A_354 : vector<16xf32>
    %get3A_356 = arith.constant 304 : index
    %get3A_357 = tpu.vector_load %arg8[%get3A_356] {strides = array<i32>} : memref<8208xf32, #tpu.memory_space<vmem>>, vector<16xf32>,
    %add3A_358 = arith.addf %add3A_355, %get3A_357 : vector<16xf32>
    %get3A_359 = arith.constant 336 : index
    %get3A_360 = tpu.vector_load %arg8[%get3A_359] {strides = array<i32>} : memref<8208xf32, #tpu.memory_space<vmem>>, vector<16xf32>,
    %add3A_361 = arith.addf %add3A_358, %get3A_360 : vector<16xf32>
    %get3A_362 = arith.constant 368 : index
    %get3A_363 = tpu.vector_load %arg8[%get3A_362] {strides = array<i32>} : memref<8208xf32, #tpu.memory_space<vmem>>, vector<16xf32>,
    %add3A_364 = arith.addf %add3A_361, %get3A_363 : vector<16xf32>
    %get3A_365 = arith.constant 400 : index
    %get3A_366 = tpu.vector_load %arg8[%get3A_365] {strides = array<i32>} : memref<8208xf32, #tpu.memory_space<vmem>>, vector<16xf32>,
    %add3A_367 = arith.addf %add3A_364, %get3A_366 : vector<16xf32>
    %get3A_368 = arith.constant 432 : index
    %get3A_369 = tpu.vector_load %arg8[%get3A_368] {strides = array<i32>} : memref<8208xf32, #tpu.memory_space<vmem>>, vector<16xf32>,
    %add3A_370 = arith.addf %add3A_367, %get3A_369 : vector<16xf32>
    %get3A_371 = arith.constant 464 : index
    %get3A_372 = tpu.vector_load %arg8[%get3A_371] {strides = array<i32>} : memref<8208xf32, #tpu.memory_space<vmem>>, vector<16xf32>,
    %add3A_373 = arith.addf %add3A_370, %get3A_372 : vector<16xf32>
    %get3A_374 = arith.constant 496 : index
    %get3A_375 = tpu.vector_load %arg8[%get3A_374] {strides = array<i32>} : memref<8208xf32, #tpu.memory_space<vmem>>, vector<16xf32>,
    %add3A_376 = arith.addf %add3A_373, %get3A_375 : vector<16xf32>
    %swap3A_377 = arith.constant 16 : index
    %swap3A_378 = tpu.vector_load %arg9[%swap3A_377] {strides = array<i32>} : memref<512xf32, #tpu.memory_space<vmem>>, vector<16xf32>,
    tpu.vector_store %arg9[%swap3A_377], %add3A_376 {strides = array<i32>} : memref<512xf32, #tpu.memory_space<vmem>>, vector<16xf32>,
    "tpu.region"() ({
      %run_scoped3A = tpu.sem_alloc : memref<!tpu.dma_semaphore, #tpu.memory_space<semaphore_mem>>
      %dma_start3A_379 = arith.constant 0 : i32
      %dma_start3A_380 = tpu.memref_slice %arg9[%dma_start3A_379] : memref<512xf32, #tpu.memory_space<vmem>> -> memref<32xf32, #tpu.memory_space<vmem>>
      %dma_start3A_381 = tpu.memref_slice %arg5[%mul3A_48] : memref<512xf32, #tpu.memory_space<hbm>> -> memref<32xf32, #tpu.memory_space<hbm>>
      %dma_start3A_382 = tpu.memref_slice %arg5[%mul3A_48] : memref<512xf32, #tpu.memory_space<hbm>> -> memref<32xf32, #tpu.memory_space<hbm>>
      %dma_start3A_383 = arith.constant 0 : i32
      %dma_start3A_384 = tpu.memref_slice %arg9[%dma_start3A_383] : memref<512xf32, #tpu.memory_space<vmem>> -> memref<32xf32, #tpu.memory_space<vmem>>
      tpu.enqueue_dma source(%dma_start3A_384 : memref<32xf32, #tpu.memory_space<vmem>>) target(%dma_start3A_382 : memref<32xf32, #tpu.memory_space<hbm>>) target_semaphore(%run_scoped3A : memref<!tpu.dma_semaphore, #tpu.memory_space<semaphore_mem>>)
      %dma_wait3A_385 = arith.constant 0 : i32
      %dma_wait3A_386 = tpu.memref_slice %arg9[%dma_wait3A_385] : memref<512xf32, #tpu.memory_space<vmem>> -> memref<32xf32, #tpu.memory_space<vmem>>
      %dma_wait3A_387 = tpu.memref_slice %arg5[%mul3A_48] : memref<512xf32, #tpu.memory_space<hbm>> -> memref<32xf32, #tpu.memory_space<hbm>>
      %dma_wait3A_388 = tpu.memref_slice %arg5[%mul3A_48] : memref<512xf32, #tpu.memory_space<hbm>> -> memref<32xf32, #tpu.memory_space<hbm>>
      %dma_wait3A_389 = arith.constant 0 : i32
      %dma_wait3A_390 = tpu.memref_slice %arg9[%dma_wait3A_389] : memref<512xf32, #tpu.memory_space<vmem>> -> memref<32xf32, #tpu.memory_space<vmem>>
      tpu.wait_dma2 semaphore(%run_scoped3A : memref<!tpu.dma_semaphore, #tpu.memory_space<semaphore_mem>>) src(%dma_wait3A_390 : memref<32xf32, #tpu.memory_space<vmem>>) dst(%dma_wait3A_388 : memref<32xf32, #tpu.memory_space<hbm>>)
      tpu.yield
    }) : () -> ()
    return
  }
}

module attributes {stable_mosaic.version = 14 : i64} {
  func.func @_scores_body(%arg0: i32, %arg1: memref<10240x128xf32, #tpu.memory_space<vmem>>, %arg2: memref<10240x128xf32, #tpu.memory_space<vmem>>, %arg3: memref<1x256xf32, #tpu.memory_space<vmem>>, %arg4: memref<1x10240xf32, #tpu.memory_space<vmem>>) attributes {dimension_semantics = [#tpu.dimension_semantics<arbitrary>], iteration_bounds = array<i64: 10>, scalar_prefetch = 0 : i64, scratch_operands = 0 : i64, tpu.core_type = #tpu.core_type<tc>, window_params = [{transform_indices = @transform_0, window_bounds = array<i64: 10240, 128>}, {transform_indices = @transform_1, window_bounds = array<i64: 10240, 128>}, {pipeline_mode = #tpu.pipeline_mode<synchronous>, transform_indices = @transform_2, window_bounds = array<i64: 1, 256>}, {transform_indices = @transform_3, window_bounds = array<i64: 1, 10240>}]} {
    %get3A = arith.constant 0 : index
    %get3A_0 = arith.constant 0 : index
    %get3A_1 = vector.load %arg3[%get3A, %get3A_0] : memref<1x256xf32, #tpu.memory_space<vmem>>, vector<1x128xf32>
    %get3A_2 = arith.constant 0 : index
    %get3A_3 = arith.constant 0 : index
    %get3A_4 = vector.load %arg1[%get3A_2, %get3A_3] : memref<10240x128xf32, #tpu.memory_space<vmem>>, vector<10240x128xf32>
    %dot_general3A = arith.constant dense<0.000000e+00> : vector<1x10240xf32>
    %dot_general3A_5 = tpu.matmul %get3A_1, %get3A_4, %dot_general3A {dimension_numbers = #tpu.dot_dimension_numbers<[1], [1], [0], [0], [0, 0, 1, 0], [], []>, transpose_lhs_hint = false} : vector<1x128xf32>, vector<10240x128xf32>, vector<1x10240xf32> -> vector<1x10240xf32>
    %get3A_6 = arith.constant 0 : index
    %get3A_7 = arith.constant 128 : index
    %get3A_8 = vector.load %arg3[%get3A_6, %get3A_7] : memref<1x256xf32, #tpu.memory_space<vmem>>, vector<1x128xf32>
    %get3A_9 = arith.constant 0 : index
    %get3A_10 = arith.constant 0 : index
    %get3A_11 = vector.load %arg2[%get3A_9, %get3A_10] : memref<10240x128xf32, #tpu.memory_space<vmem>>, vector<10240x128xf32>
    %dot_general3A_12 = arith.constant dense<0.000000e+00> : vector<1x10240xf32>
    %dot_general3A_13 = tpu.matmul %get3A_8, %get3A_11, %dot_general3A_12 {dimension_numbers = #tpu.dot_dimension_numbers<[1], [1], [0], [0], [0, 0, 1, 0], [], []>, transpose_lhs_hint = false} : vector<1x128xf32>, vector<10240x128xf32>, vector<1x10240xf32> -> vector<1x10240xf32>
    %add3A = arith.addf %dot_general3A_5, %dot_general3A_13 : vector<1x10240xf32>
    %mul3A = arith.constant 10240 : i32
    %mul3A_14 = arith.muli %arg0, %mul3A : i32
    %iota3A = tpu.iota {dimensions = array<i32: 1>} : vector<1x10240xi32>
    %add3A_15 = vector.broadcast %mul3A_14 : i32 to vector<1x10240xi32>
    %add3A_16 = arith.addi %add3A_15, %iota3A : vector<1x10240xi32>
    %lt3A = arith.constant 100000 : i32
    %lt3A_17 = vector.broadcast %lt3A : i32 to vector<1x10240xi32>
    %lt3A_18 = arith.cmpi slt, %add3A_16, %lt3A_17 : vector<1x10240xi32>
    %jit3A = arith.constant 0.000000e+00 : f32
    %broadcast_in_dim3A = vector.broadcast %jit3A : f32 to vector<1x10240xf32>
    %select_n3A = arith.select %lt3A_18, %add3A, %broadcast_in_dim3A : vector<1x10240xi1>, vector<1x10240xf32>
    %swap3A = arith.constant 0 : index
    %swap3A_19 = arith.constant 0 : index
    %swap3A_20 = vector.load %arg4[%swap3A, %swap3A_19] : memref<1x10240xf32, #tpu.memory_space<vmem>>, vector<1x10240xf32>
    tpu.vector_store %arg4[%swap3A, %swap3A_19], %select_n3A {strides = array<i32>} : memref<1x10240xf32, #tpu.memory_space<vmem>>, vector<1x10240xf32>,
    return
  }
  func.func @transform_0(%arg0: i32) -> (i32, i32) {
    %c0_i32 = arith.constant 0 : i32
    %c0_i32_0 = arith.constant 0 : i32
    return %arg0, %c0_i32 : i32, i32
  }
  func.func @transform_1(%arg0: i32) -> (i32, i32) {
    %c0_i32 = arith.constant 0 : i32
    %c0_i32_0 = arith.constant 0 : i32
    return %arg0, %c0_i32 : i32, i32
  }
  func.func @transform_2(%arg0: i32) -> (i32, i32) {
    %c0_i32 = arith.constant 0 : i32
    %c0_i32_0 = arith.constant 0 : i32
    %c0_i32_1 = arith.constant 0 : i32
    return %c0_i32, %c0_i32_0 : i32, i32
  }
  func.func @transform_3(%arg0: i32) -> (i32, i32) {
    %c0_i32 = arith.constant 0 : i32
    %c0_i32_0 = arith.constant 0 : i32
    return %c0_i32, %arg0 : i32, i32
  }
}

</mosaic_0001>

<sc_bundles>
// kernel: kernel.4.cloned.1.call-start
scs
__scs_entry_jumppad:
0x0: {  	(pc) =	sbr.rel $0x88, $3  }
0x1: {  	(tag) =	ssettag $0x0;
	lr =	simm.s32 $0x1  }
0x2: {  	[smem:$0x3F9C] =	sst lr;
	_ =	strace $0xD0000000  }
0x3: {  	_ = 	snop  }
0x4: {  	_ = 	snop  }
0x5: {  	_ = 	snop  }
0x6: {  	_ = 	snop  }
0x7: {  	_ = 	snop  }
__scs_overlays_trampoline_lowered:
0x8: {  	[smem:$0x3FAB] =	sst s0  }
0x9: {  	[smem:$0x3FAC] =	sst s1  }
0xa: {  	[smem:$0x3FAD] =	sst s2  }
0xb: {  	[smem:$0x3FAE] =	sst s3  }
0xc: {  	[smem:$0x3FAF] =	sst s4  }
0xd: {  	[smem:$0x3FB0] =	sst s5  }
0xe: {  	[smem:$0x3FB1] =	sst s6  }
0xf: {  	[smem:$0x3FB2] =	sst s7  }
0x10: {  	[smem:$0x3FB3] =	sst s8  }
0x11: {  	[smem:$0x3FB4] =	sst s9;
	s0 =	simm.s32 @!p0 $0x0  }
0x12: {  	s1 =	sld [smem:$0x3F9A];
	s0 =	simm.s32 @p0 $0x1  }
0x13: {  	[smem:$0x3FB5] =	sst s0;
	s0 =	simm.s32 @!p1 $0x0  }
0x14: {  	s2 =	sld [smem:$0x3F99];
	s0 =	simm.s32 @p1 $0x1  }
0x15: {  	[smem:$0x3FB6] =	sst s0;
	s0 =	simm.s32 @!p2 $0x0  }
0x16: {  	s3 =	sld [smem:$0x3FDB];
	s0 =	simm.s32 @p2 $0x1  }
0x17: {  	s4 =	simm.s32 $0x1BF5;
	[smem:$0x3FB8] =	sst s0  }
0x18: {  	s0 =	sld [smem:$0x3F9B];
	_ =	swait.ge [sflag:s4], $0x0  }
0x19: {  	s7 =	sld [smem:$0x3F9C]  }
0x1a: {  	s8 =	sadd.s32 $0xFFFFE003, lr  }
0x1b: {  	s9 =	sadd.s32 $0xFFFFFEF7, lr;
	s5 =	simm.s32 $0xFFFFFFFF;
	p2 =	slt.u32 s8, $0xFFFFF086  }
0x1c: {  	p1 =	slt.u32 s9, $0xF7A;
	s5 =	simm.s32 @!p2 $0x0  }
0x1d: {  	s5 =	simm.s32 @p1 $0x1;
	p0 =	seq.s32 s7, s2  }
0x1e: {  	s7 =	smul.u32 @!p0 $0xF7A, s2;
	p2 =	seq.s32 @!p0 s5, $0x0  }
0x1f: {  	s9 =	smul.u32 $0xF7A, s1;
	s8 =	simm.s32 @!p0 $0x1BF5;
	p2 =	por !p2, p0  }
0x20: {  	[sflag:s8] =	ssyncset.s32 @!p0 $0xFFFFF086;
	s6 =	sadd.s32 @!p0 s3, s7;
	s7 =	simm.s32 @!p0 $0x108  }
0x21: {  	s3 =	sadd.s32 s3, s9;
	s6 =	sadd.s32 @!p0 $0x88, s6;
	s7 =	simm.s32 @p2 $0x1082  }
0x22: {  	[simem:s7], [sflag:s8] =	dma.local @!p0 [hbm:s6], $0xF7A  }
0x23: {  	s9 =	sor.u32 $0xD0000000, s2;
	s6 =	simm.s32 $0x108;
	_ =	swait.ge @!p0 [sflag:s8], $0x0  }
0x24: {  	s3 =	sadd.s32 $0x88, s3;
	s6 =	simm.s32 @!p1 $0x1082;
	[sflag:s4] =	ssyncset.s32 $0xFFFFF086  }
0x25: {  	[simem:s6], [sflag:s4] =	dma.local [hbm:s3], $0xF7A  }
0x26: {  	[smem:$0x3F9C] =	sst s1;
	(tag) =	ssettag s2;
	_ =	strace s9  }
0x27: {  	s1 =	sld [smem:$0x3FAC]  }
0x28: {  	s2 =	sld [smem:$0x3FAD]  }
0x29: {  	s4 =	sld [smem:$0x3FAF]  }
0x2a: {  	p0 =	seq.s32 s5, $0x0;
	s5 =	sld [smem:$0x3FB0]  }
0x2b: {  	s6 =	sld [smem:$0x3FB1]  }
0x2c: {  	s7 =	sld [smem:$0x3FB2]  }
0x2d: {  	s3 =	simm.s32 $0x108;
	s8 =	sld [smem:$0x3FB3]  }
0x2e: {  	s3 =	simm.s32 @!p0 $0x1082;
	s9 =	sld [smem:$0x3FB4]  }
0x2f: {  	lr =	sadd.s32 s0, s3;
	s0 =	sld [smem:$0x3FAB]  }
0x30: {  	s3 =	sld [smem:$0x3FAE]  }
0x31: {  	[smem:$0x3FB7] =	sst s10  }
0x32: {  	s10 =	sld [smem:$0x3FB5];
	_ =	sdelay $0x3  }
0x33: {  	p0 =	seq.s32 s10, $0x1;
	s10 =	sld [smem:$0x3FB7];
	_ =	sdelay $0x3  }
0x34: {  	[smem:$0x3FB7] =	sst s10  }
0x35: {  	s10 =	sld [smem:$0x3FB6];
	_ =	sdelay $0x3  }
0x36: {  	p1 =	seq.s32 s10, $0x1;
	s10 =	sld [smem:$0x3FB7];
	_ =	sdelay $0x3  }
0x37: {  	[smem:$0x3FB7] =	sst s10  }
0x38: {  	s10 =	sld [smem:$0x3FB8]  }
0x39: {  	_ = 	snop;
	(pc) =	sbr.ind lr, $3  }
0x3a: {  	_ = 	snop  }
0x3b: {  	_ = 	snop  }
0x3c: {  	p2 =	seq.s32 s10, $0x1;
	s10 =	sld [smem:$0x3FB7]  }
0x3d: {  	_ =	shalt  }
0x3e: {  	_ =	shalt  }
0x3f: {  	_ =	shalt  }
0x40: {  	_ =	shalt  }
0x41: {  	_ =	shalt  }
0x42: {  	_ =	shalt  }
0x43: {  	_ =	shalt  }
0x44: {  	_ =	shalt  }
0x45: {  	_ =	shalt  }
0x46: {  	_ =	shalt  }
0x47: {  	_ =	shalt  }
0x48: {  	_ =	shalt  }
0x49: {  	_ =	shalt  }
0x4a: {  	_ =	shalt  }
0x4b: {  	_ =	shalt  }
0x4c: {  	_ =	shalt  }
0x4d: {  	_ =	shalt  }
0x4e: {  	_ =	shalt  }
0x4f: {  	_ =	shalt  }
0x50: {  	_ =	shalt  }
0x51: {  	_ =	shalt  }
0x52: {  	_ =	shalt  }
0x53: {  	_ =	shalt  }
0x54: {  	_ =	shalt  }
0x55: {  	_ =	shalt  }
0x56: {  	_ =	shalt  }
0x57: {  	_ =	shalt  }
0x58: {  	_ =	shalt  }
0x59: {  	_ =	shalt  }
0x5a: {  	_ =	shalt  }
0x5b: {  	_ =	shalt  }
0x5c: {  	_ =	shalt  }
0x5d: {  	_ =	shalt  }
0x5e: {  	_ =	shalt  }
0x5f: {  	_ =	shalt  }
0x60: {  	_ =	shalt  }
0x61: {  	_ =	shalt  }
0x62: {  	_ =	shalt  }
0x63: {  	_ =	shalt  }
0x64: {  	_ =	shalt  }
0x65: {  	_ =	shalt  }
0x66: {  	_ =	shalt  }
0x67: {  	_ =	shalt  }
0x68: {  	_ =	shalt  }
0x69: {  	_ =	shalt  }
0x6a: {  	_ =	shalt  }
0x6b: {  	_ =	shalt  }
0x6c: {  	_ =	shalt  }
0x6d: {  	_ =	shalt  }
0x6e: {  	_ =	shalt  }
0x6f: {  	_ =	shalt  }
0x70: {  	_ =	shalt  }
0x71: {  	_ =	shalt  }
0x72: {  	_ =	shalt  }
0x73: {  	_ =	shalt  }
0x74: {  	_ =	shalt  }
0x75: {  	_ =	shalt  }
0x76: {  	_ =	shalt  }
0x77: {  	_ =	shalt  }
0x78: {  	_ =	shalt  }
0x79: {  	_ =	shalt  }
0x7a: {  	_ =	shalt  }
0x7b: {  	_ =	shalt  }
0x7c: {  	_ =	shalt  }
0x7d: {  	_ =	shalt  }
0x7e: {  	_ =	shalt  }
0x7f: {  	_ =	shalt  }
0x80: {  	_ =	shalt  }
0x81: {  	_ =	shalt  }
0x82: {  	_ =	shalt  }
0x83: {  	_ =	shalt  }
0x84: {  	_ =	shalt  }
0x85: {  	_ =	shalt  }
0x86: {  	_ =	shalt  }
0x87: {  	_ =	shalt  }
.Lfunc_end0:
.L_simem_size_0:
called_computation_lowered:
.L_overlay_start_0:
0x88: {  	s0 =	sld [smem:$0x3FD9]  }
0x89: {  	s1 =	sld [smem:$0x3FFE];
	_ =	sdelay $0x3  }
0x8a: {  	s0 =	sadd.s32 s1, s0  }
0x8b: {  	[smem:$0x3FC3] =	sst s0  }
0x8c: {  	_ = 	snop  }
0x8d: {  	s0 =	sld [smem:$0x3FC7]  }
0x8e: {  	s16 =	sld [smem:$0x3FC5]  }
0x8f: {  	s2 =	sld [smem:$0x3FD0];
	(tm) =	ssettm $0x1  }
0x90: {  	s3 =	sld [smem:$0x3FFB];
	_ =	sdelay $0x3  }
0x91: {  	_ =	strace s3  }
0x92: {  	s3 =	sld [smem:$0x3FFC];
	_ =	sdelay $0x3  }
0x93: {  	_ =	strace s3  }
0x94: {  	s3 =	sld [smem:$0x3FFD];
	_ =	sdelay $0x3  }
0x95: {  	_ =	strace s3  }
0x96: {  	_ =	strace $0x8FFFFFFF  }
0x97: {  	s17 =	sld [smem:$0x3FDB];
	_ =	sdelay $0x1  }
0x98: {  	s4 =	simm.s32 $_scs_section_size  }
0x99: {  	s5 =	simm.s32 $_size__tile_overlayer_lowered;
	s6 =	simm.s32 $_tile_overlayer_lowered  }
0x9a: {  	s20 =	simm.s32 $0x1BFF;
	s19 =	sshll.u32 s6, $0x1;
	s3 =	sadd.s32 s4, s17  }
0x9b: {  	s7 =	simm.s32 $0x0;
	s18 =	sshll.u32 s5, $0x1;
	s5 =	sadd.s32 s19, s3  }
0x9c: {  	[timem:s7], [sflag:s20] =	dma.local [hbm:s5], s18  }
0x9d: {  	_ =	swait.ge [sflag:s20], s18  }
0x9e: {  	s4 =	ssub.s32 $0x0, s18;
	[sflag:s20] =	ssyncset.done $0x0  }
0x9f: {  	[sflag:s20] =	ssyncadd.s32 s4;
	_ =	sdelay $0x1  }
0xa0: {  	s21 =	simm.s32 $0x1B8B  }
0xa1: {  	_ =	swait.ge [sflag:s21], $0x1  }
0xa2: {  	[sflag:s21] =	ssyncset.done $0x0  }
0xa3: {  	s23 =	simm.s32 $0x1B8E;
	s22 =	sld [smem:$0x3FFE];
	[sflag:s21] =	ssyncadd.s32 $0xFFFFFFFF  }
0xa4: {  	s24 =	simm.s32 $execute0_lowered;
	[smem:$0x3FD2] =	sst s23  }
0xa5: {  	s5 =	sshll.u32 s24, $0x1;
	_ =	strace $0x80000046;
	[dreg:$0x1] =	wrdreg $0xFFFFFFFF  }
0xa6: {  	s25 =	simm.s32 $_size_execute0_lowered;
	s3 =	sadd.s32 s3, s5;
	[dreg:$0x0] =	wrdreg $0x0  }
0xa7: {  	s5 =	sshll.u32 s25, $0x1;
	[dreg:$0x2] =	wrdreg s3  }
0xa8: {  	[dreg:$0x3] =	wrdreg s5  }
0xa9: {  	[dreg:$0x4] =	wrdreg $0xC0  }
0xaa: {  	_ =	task [dreg:s7], $0x5FFFF  }
0xab: {  	[dreg:$0x1] =	wrdreg $0xFFFFFFFF  }
0xac: {  	[dreg:$0x0] =	wrdreg $0x60  }
0xad: {  	[dreg:$0x2] =	wrdreg s22  }
0xae: {  	[dreg:$0x3] =	wrdreg s0  }
0xaf: {  	[dreg:$0x4] =	wrdreg s16  }
0xb0: {  	[dreg:$0x5] =	wrdreg s2  }
0xb1: {  	[dreg:$0x6] =	wrdreg $0x55000  }
0xb2: {  	[dreg:$0x7] =	wrdreg $0x9  }
0xb3: {  	_ =	task.clear_ibuf [dreg:s7], $0x8FFFF;
	_ =	strace $0x90000046  }
0xb4: {  	s26 =	simm.s32 $0x9;
	_ =	strace $0x80000048  }
0xb5: {  	_ =	swait.ge [sflag:s26], $0x1  }
0xb6: {  	[sflag:s26] =	ssyncadd.s32 $0xFFFFFFFF  }
0xb7: {  	_ =	strace $0x90000048  }
0xb8: {  	_ =	sfence  }
0xb9: {  	s28 =	sld [smem:$0x0];
	_ =	sdelay $0x1  }
0xba: {  	s29 =	srdreg.scid  }
0xbb: {  	s30 =	sshll.u32 s29, $0xD;
	s31 =	sshrl.u32 s29, $0x2  }
0xbc: {  	s1 =	sand.u32 $0x1, s29;
	s2 =	sand.u32 $0x4000, s30;
	s0 =	sadd.s32 s31, s28  }
0xbd: {  	s1 =	sor.u32 s2, s1;
	s0 =	sshll.u32 s0, $0x11  }
0xbe: {  	s0 =	sor.u32 s0, s1  }
0xbf: {  	s0 =	sadd.s32 $0x8F2B, s0  }
0xc0: {  	[sflag:s0] =	ssyncadd.remote.s32 $0x1  }
0xc1: {  	_ =	sfence.sel $0xFFFF  }
0xc2: {  	[dreg:$0x0] =	wrdreg $0xFFFFFFFF;
	(pc) =	sbr.abs _section_cstart, $3  }
0xc3: {  	[dreg:$0x1] =	wrdreg $0xFFFFFFFF  }
0xc4: {  	_ =	task.clear_ibuf [dreg:s7], $0x2FFFF;
	_ =	strace $0x9FFFFFFF  }
0xc5: {  	(tm) =	ssettm $0x7FFFFFFF  }
tec
execute0_lowered:
.L_overlay_start_1:
0x0: {  	(tag) =	ssettag $0x1  }
0x1: {  	s2 =	rddreg [dreg:$0x0]  }
0x2: {  	s4 =	rddreg [dreg:$0x1]  }
0x3: {  	s3 =	rddreg [dreg:$0x2]  }
0x4: {  	s22 =	rddreg [dreg:$0x3]  }
0x5: {  	s5 =	rddreg [dreg:$0x4]  }
0x6: {  	s0 =	rddreg [dreg:$0x5];
	s6 =	simm.s32 $0x0;
	s1 =	stileid.u32  }
0x7: {  	[smem:$0x7FF] =	sst s6;
	s2 =	sadd.s32 $0x800, s2;
	p0 =	seq.s32 s1, $0xF  }
0x8: {  	_ =	strace $0x80000047;
	s6 =	sadd.s32 @p0 $0x2EE0, s2;
	s7 =	simm.s32 @p0 $0x0  }
0x9: {  	[tilespmem:s7], [sflag:$0x1] =	stream.linear.gather @p0 [hbm4b:s6+s7], $0xFA0, $0x38;
	[tilespmem:$0x5700] =	vst v63  }
0xa: {  	s8 =	simm.s32 @p0 $0x1900;
	s9 =	smul.u32 @!p0 $0x320, s1;
	s6 =	sadd.s32 @p0 $0x2EE0, s4  }
0xb: {  	[tilespmem:s8], [sflag:$0x2] =	stream.linear.gather @p0 [hbm4b:s6+s7], $0xFA0, $0x38;
	[tilespmem:$0x5700] =	vst v63  }
0xc: {  	s2 =	sadd.s32 @!p0 s2, s9;
	s6 =	simm.s32 @!p0 $0x0  }
0xd: {  	[tilespmem:s6], [sflag:$0x1] =	stream.linear.gather @!p0 [hbm4b:s2+s6], $0x1900, $0x38;
	[tilespmem:$0x5700] =	vst v63  }
0xe: {  	s21 =	simm.s32 $0x3280;
	s2 =	sadd.s32 @!p0 s4, s9;
	s4 =	simm.s32 @!p0 $0x1900  }
0xf: {  	v0 =	vimm.f32 $0.0e+00;
	[tilespmem:s4], [sflag:$0x2] =	stream.linear.gather @!p0 [hbm4b:s2+s6], $0x1900, $0x38;
	[tilespmem:$0x5700] =	vst v63  }
0x10: {  	[tilespmem:s21+$0xFFFFFF80] =	vst v0  }
0x11: {  	[tilespmem:s21+$0x70] =	vst v0  }
0x12: {  	[tilespmem:s21+$0x60] =	vst v0  }
0x13: {  	[tilespmem:s21+$0x50] =	vst v0  }
0x14: {  	[tilespmem:s21+$0x40] =	vst v0  }
0x15: {  	[tilespmem:s21+$0x30] =	vst v0  }
0x16: {  	[tilespmem:s21+$0x20] =	vst v0  }
0x17: {  	s30 =	sshll.u32 s1, $0x5;
	[tilespmem:s21+$0x10] =	vst v0  }
0x18: {  	s29 =	sshll.u32 s1, $0x9;
	s31 =	sshll.u32 s1, $0x2;
	s18 =	sadd.s32 s30, s5;
	[tilespmem:s21+$0x0] =	vst v0  }
0x19: {  	s20 =	sadd.s32 s29, s5;
	s19 =	sadd.s32 $0x200, s18;
	s17 =	sadd.s32 $0x400, s18;
	[tilespmem:s21+$0xFFFFFFF0] =	vst v0  }
0x1a: {  	s15 =	sadd.s32 $0x600, s18;
	s16 =	sadd.s32 $0x800, s18;
	s14 =	sadd.s32 $0xA00, s18;
	[tilespmem:s21+$0xFFFFFFE0] =	vst v0  }
0x1b: {  	s12 =	sadd.s32 $0xC00, s18;
	s13 =	sadd.s32 $0xE00, s18;
	s11 =	sadd.s32 $0x1000, s18;
	[tilespmem:s21+$0xFFFFFFD0] =	vst v0  }
0x1c: {  	s10 =	sadd.s32 $0x1400, s18;
	s5 =	sadd.s32 $0x1800, s18;
	s8 =	sadd.s32 $0x1600, s18;
	[tilespmem:s21+$0xFFFFFFC0] =	vst v0  }
0x1d: {  	s7 =	sadd.s32 $0x1E00, s18;
	s9 =	sadd.s32 $0x1200, s18;
	s6 =	sadd.s32 $0x1A00, s18;
	[tilespmem:s21+$0xFFFFFFB0] =	vst v0  }
0x1e: {  	s4 =	sadd.s32 $0x1C00, s18;
	s2 =	sadd.s32 s22, s31;
	s22 =	simm.s32 $0x0;
	[tilespmem:s21+$0xFFFFFFA0] =	vst v0  }
.LBB2_1:
0x1f: {  	s22 =	sadd.s32 $0x10, s22;
	[tilespmem:s21+$0xFFFFFF90] =	vst v0;
	s21 =	sadd.s32 $0x100, s21  }
0x20: {  	[tilespmem:s21+$0xFFFFFF80] =	vst v0;
	p1 =	slt.u32 s22, $0x1F0  }
0x21: {  	[tilespmem:s21+$0x70] =	vst v0  }
0x22: {  	[tilespmem:s21+$0x60] =	vst v0  }
0x23: {  	[tilespmem:s21+$0x50] =	vst v0  }
0x24: {  	[tilespmem:s21+$0x40] =	vst v0  }
0x25: {  	[tilespmem:s21+$0x30] =	vst v0  }
0x26: {  	[tilespmem:s21+$0x20] =	vst v0  }
0x27: {  	[tilespmem:s21+$0x10] =	vst v0  }
0x28: {  	[tilespmem:s21+$0x0] =	vst v0  }
0x29: {  	[tilespmem:s21+$0xFFFFFFF0] =	vst v0  }
.Ltmp0:
0x2a: {  	[tilespmem:s21+$0xFFFFFFE0] =	vst v0;
	(pc) =	sbr.rel @p1 .LBB2_1-.Ltmp0, $4  }
0x2b: {  	[tilespmem:s21+$0xFFFFFFD0] =	vst v0  }
0x2c: {  	[tilespmem:s21+$0xFFFFFFC0] =	vst v0  }
0x2d: {  	[tilespmem:s21+$0xFFFFFFB0] =	vst v0  }
0x2e: {  	[tilespmem:s21+$0xFFFFFFA0] =	vst v0  }
.Ltmp1:
0x2f: {  	(pc) =	sbr.rel @!p0 .LBB2_3-.Ltmp1, $3  }
0x30: {  	_ =	sdelay $0x1  }
0x31: {  	[tilespmem:s21+$0xFFFFFF90] =	vst v0;
	v63 =	vimm.f32 $0.0e+00  }
0x32: {  	s21 =	simm.s32 $0x1;
	[tilespmem:$0x5200] =	vst v63  }
0x33: {  	_ =	swait.ge [sflag:s21], $0xFA0  }
0x34: {  	[sflag:s21] =	ssyncset.done $0x0  }
0x35: {  	s31 =	simm.s32 $0x2;
	[sflag:s21] =	ssyncadd.s32 $0xFFFFF060  }
0x36: {  	_ =	swait.ge [sflag:s31], $0xFA0  }
0x37: {  	v0 =	vlaneseq.u32;
	s22 =	simm.s32 $0x1940;
	s23 =	simm.s32 $0x40;
	[sflag:s31] =	ssyncset.done $0x0  }
0x38: {  	s24 =	simm.s32 $0x3200;
	v0 =	vmul.u32 $0x201, v0;
	s21 =	simm.s32 $0xFFFFFFF8;
	[sflag:s31] =	ssyncadd.s32 $0xFFFFF060  }
.LBB2_6:
0x39: {  	v1 =	vld [tilespmem:s22+$0xFFFFFFC0];
	_ =	sdelay $0x4  }
0x3a: {  	v2 =	vld [tilespmem:s23+$0xFFFFFFC0];
	v1 =	vadd.s32 v0, v1;
	_ =	sdelay $0x4  }
0x3b: {  	[tilespmem:v1+s24+$0x0] =	vst.idx.add.f32.msk $0xffff, v2  }
0x3c: {  	v1 =	vld [tilespmem:s22+$0xFFFFFFD0];
	_ =	sdelay $0x4  }
0x3d: {  	v2 =	vld [tilespmem:s23+$0xFFFFFFD0];
	v1 =	vadd.s32 v0, v1;
	_ =	sdelay $0x4  }
0x3e: {  	[tilespmem:v1+s24+$0x0] =	vst.idx.add.f32.msk $0xffff, v2  }
0x3f: {  	v1 =	vld [tilespmem:s22+$0xFFFFFFE0];
	_ =	sdelay $0x4  }
0x40: {  	v2 =	vld [tilespmem:s23+$0xFFFFFFE0];
	v1 =	vadd.s32 v0, v1;
	_ =	sdelay $0x4  }
0x41: {  	[tilespmem:v1+s24+$0x0] =	vst.idx.add.f32.msk $0xffff, v2  }
0x42: {  	v1 =	vld [tilespmem:s22+$0xFFFFFFF0];
	_ =	sdelay $0x4  }
0x43: {  	v2 =	vld [tilespmem:s23+$0xFFFFFFF0];
	v1 =	vadd.s32 v0, v1;
	_ =	sdelay $0x4  }
0x44: {  	[tilespmem:v1+s24+$0x0] =	vst.idx.add.f32.msk $0xffff, v2  }
0x45: {  	v1 =	vld [tilespmem:s22+$0x0];
	_ =	sdelay $0x4  }
0x46: {  	v2 =	vld [tilespmem:s23+$0x0];
	v1 =	vadd.s32 v0, v1;
	_ =	sdelay $0x4  }
0x47: {  	[tilespmem:v1+s24+$0x0] =	vst.idx.add.f32.msk $0xffff, v2  }
0x48: {  	v1 =	vld [tilespmem:s22+$0x10];
	_ =	sdelay $0x4  }
0x49: {  	v2 =	vld [tilespmem:s23+$0x10];
	v1 =	vadd.s32 v0, v1;
	_ =	sdelay $0x4  }
0x4a: {  	[tilespmem:v1+s24+$0x0] =	vst.idx.add.f32.msk $0xffff, v2  }
0x4b: {  	v1 =	vld [tilespmem:s22+$0x20];
	_ =	sdelay $0x4  }
0x4c: {  	v2 =	vld [tilespmem:s23+$0x20];
	v1 =	vadd.s32 v0, v1;
	_ =	sdelay $0x4  }
0x4d: {  	[tilespmem:v1+s24+$0x0] =	vst.idx.add.f32.msk $0xffff, v2  }
0x4e: {  	v1 =	vld [tilespmem:s22+$0x30];
	_ =	sdelay $0x3  }
0x4f: {  	s21 =	sadd.s32 $0x8, s21  }
0x50: {  	p0 =	slt.u32 s21, $0xF0;
	v2 =	vld [tilespmem:s23+$0x30];
	v1 =	vadd.s32 v0, v1  }
.Ltmp2:
0x51: {  	_ = 	snop;
	(pc) =	sbr.rel @p0 .LBB2_6-.Ltmp2, $2  }
0x52: {  	_ =	sdelay $0x2  }
0x53: {  	s22 =	sadd.s32 $0x80, s22;
	s23 =	sadd.s32 $0x80, s23;
	[tilespmem:v1+s24+$0x0] =	vst.idx.add.f32.msk $0xffff, v2  }
0x54: {  	v0 =	vld [tilespmem:$0x2880];
	_ =	sdelay $0x1  }
0x55: {  	v1 =	vlaneseq.u32  }
0x56: {  	v1 =	vmul.u32 $0x201, v1;
	_ =	sdelay $0x1  }
0x57: {  	v2 =	vld [tilespmem:$0xF80];
	v0 =	vadd.s32 v1, v0;
	_ =	sdelay $0x3  }
0x58: {  	s21 =	simm.s32 $0x3200  }
0x59: {  	[tilespmem:v0+s21+$0x0] =	vst.idx.add.f32.msk $0xffff, v2  }
0x5a: {  	v0 =	vld [tilespmem:$0x2890];
	_ =	sdelay $0x4  }
0x5b: {  	v63 =	vld [tilespmem:$0xF90];
	v0 =	vadd.s32 v1, v0  }
.Ltmp3:
0x5c: {  	_ = 	snop;
	(pc) =	sbr.rel .LBB2_8-.Ltmp3, $2  }
0x5d: {  	_ =	sdelay $0x2  }
0x5e: {  	[tilespmem:v0+s21+$0x0] =	vst.idx.add.f32.msk $0xffff, v63  }
.LBB2_3:
0x5f: {  	_ =	swait.ge [sflag:s21], $0x1900  }
0x60: {  	[sflag:s21] =	ssyncset.done $0x0  }
0x61: {  	s31 =	simm.s32 $0x2;
	[sflag:s21] =	ssyncadd.s32 $0xFFFFE700  }
0x62: {  	_ =	swait.ge [sflag:s31], $0x1900  }
0x63: {  	v0 =	vlaneseq.u32;
	s22 =	simm.s32 $0x1940;
	s23 =	simm.s32 $0x40;
	[sflag:s31] =	ssyncset.done $0x0  }
0x64: {  	s24 =	simm.s32 $0x3200;
	v0 =	vmul.u32 $0x201, v0;
	s21 =	simm.s32 $0xFFFFFFF8;
	[sflag:s31] =	ssyncadd.s32 $0xFFFFE700  }
.LBB2_4:
0x65: {  	v1 =	vld [tilespmem:s22+$0xFFFFFFC0];
	_ =	sdelay $0x4  }
0x66: {  	v2 =	vld [tilespmem:s23+$0xFFFFFFC0];
	v1 =	vadd.s32 v0, v1;
	_ =	sdelay $0x4  }
0x67: {  	[tilespmem:v1+s24+$0x0] =	vst.idx.add.f32.msk $0xffff, v2  }
0x68: {  	v1 =	vld [tilespmem:s22+$0xFFFFFFD0];
	_ =	sdelay $0x4  }
0x69: {  	v2 =	vld [tilespmem:s23+$0xFFFFFFD0];
	v1 =	vadd.s32 v0, v1;
	_ =	sdelay $0x4  }
0x6a: {  	[tilespmem:v1+s24+$0x0] =	vst.idx.add.f32.msk $0xffff, v2  }
0x6b: {  	v1 =	vld [tilespmem:s22+$0xFFFFFFE0];
	_ =	sdelay $0x4  }
0x6c: {  	v2 =	vld [tilespmem:s23+$0xFFFFFFE0];
	v1 =	vadd.s32 v0, v1;
	_ =	sdelay $0x4  }
0x6d: {  	[tilespmem:v1+s24+$0x0] =	vst.idx.add.f32.msk $0xffff, v2  }
0x6e: {  	v1 =	vld [tilespmem:s22+$0xFFFFFFF0];
	_ =	sdelay $0x4  }
0x6f: {  	v2 =	vld [tilespmem:s23+$0xFFFFFFF0];
	v1 =	vadd.s32 v0, v1;
	_ =	sdelay $0x4  }
0x70: {  	[tilespmem:v1+s24+$0x0] =	vst.idx.add.f32.msk $0xffff, v2  }
0x71: {  	v1 =	vld [tilespmem:s22+$0x0];
	_ =	sdelay $0x4  }
0x72: {  	v2 =	vld [tilespmem:s23+$0x0];
	v1 =	vadd.s32 v0, v1;
	_ =	sdelay $0x4  }
0x73: {  	[tilespmem:v1+s24+$0x0] =	vst.idx.add.f32.msk $0xffff, v2  }
0x74: {  	v1 =	vld [tilespmem:s22+$0x10];
	_ =	sdelay $0x4  }
0x75: {  	v2 =	vld [tilespmem:s23+$0x10];
	v1 =	vadd.s32 v0, v1;
	_ =	sdelay $0x4  }
0x76: {  	[tilespmem:v1+s24+$0x0] =	vst.idx.add.f32.msk $0xffff, v2  }
0x77: {  	v1 =	vld [tilespmem:s22+$0x20];
	_ =	sdelay $0x4  }
0x78: {  	v2 =	vld [tilespmem:s23+$0x20];
	v1 =	vadd.s32 v0, v1;
	_ =	sdelay $0x4  }
0x79: {  	[tilespmem:v1+s24+$0x0] =	vst.idx.add.f32.msk $0xffff, v2  }
0x7a: {  	v1 =	vld [tilespmem:s22+$0x30];
	_ =	sdelay $0x3  }
0x7b: {  	s21 =	sadd.s32 $0x8, s21  }
0x7c: {  	p0 =	slt.u32 s21, $0x188;
	v2 =	vld [tilespmem:s23+$0x30];
	v1 =	vadd.s32 v0, v1  }
.Ltmp4:
0x7d: {  	_ = 	snop;
	(pc) =	sbr.rel @p0 .LBB2_4-.Ltmp4, $2  }
0x7e: {  	_ =	sdelay $0x2  }
0x7f: {  	s22 =	sadd.s32 $0x80, s22;
	s23 =	sadd.s32 $0x80, s23;
	[tilespmem:v1+s24+$0x0] =	vst.idx.add.f32.msk $0xffff, v2  }
.LBB2_8:
0x80: {  	s22 =	simm.s32 $0x0  }
0x81: {  	v0 =	vld [tilespmem:s22+$0x3200]  }
0x82: {  	v1 =	vld [tilespmem:s22+$0x3401];
	_ =	sdelay $0x1  }
0x83: {  	v2 =	vld [tilespmem:s22+$0x3602];
	_ =	sdelay $0x1  }
0x84: {  	v3 =	vld [tilespmem:s22+$0x3803]  }
0x85: {  	v0 =	vadd.f32 v1, v0  }
0x86: {  	v1 =	vld [tilespmem:s22+$0x3A04]  }
0x87: {  	v0 =	vadd.f32 v2, v0  }
0x88: {  	v2 =	vld [tilespmem:s22+$0x3C05]  }
0x89: {  	v0 =	vadd.f32 v3, v0  }
0x8a: {  	v3 =	vld [tilespmem:s22+$0x3E06]  }
0x8b: {  	v0 =	vadd.f32 v1, v0  }
0x8c: {  	v1 =	vld [tilespmem:s22+$0x4007]  }
0x8d: {  	s21 =	simm.s32 $0x10;
	v4 =	vld [tilespmem:s22+$0x4208];
	v0 =	vadd.f32 v2, v0  }
0x8e: {  	v5 =	vld [tilespmem:s21+$0x3200]  }
0x8f: {  	v2 =	vld [tilespmem:s22+$0x4409];
	v0 =	vadd.f32 v3, v0  }
0x90: {  	v3 =	vld [tilespmem:s21+$0x3401]  }
0x91: {  	v6 =	vld [tilespmem:s21+$0x3602];
	v0 =	vadd.f32 v1, v0  }
0x92: {  	v1 =	vld [tilespmem:s22+$0x460A]  }
0x93: {  	v7 =	vld [tilespmem:s21+$0x3803];
	v0 =	vadd.f32 v4, v0  }
0x94: {  	v4 =	vld [tilespmem:s22+$0x480B]  }
0x95: {  	v3 =	vadd.f32 v3, v5;
	v5 =	vld [tilespmem:s21+$0x3A04];
	v0 =	vadd.f32 v2, v0  }
0x96: {  	v2 =	vld [tilespmem:s22+$0x4A0C]  }
0x97: {  	v3 =	vadd.f32 v6, v3;
	v6 =	vld [tilespmem:s21+$0x3C05];
	v0 =	vadd.f32 v1, v0  }
0x98: {  	v1 =	vld [tilespmem:s22+$0x4C0D]  }
0x99: {  	v8 =	vld [tilespmem:s21+$0x3E06];
	v3 =	vadd.f32 v7, v3;
	v0 =	vadd.f32 v4, v0  }
0x9a: {  	v7 =	vld [tilespmem:s22+$0x4E0E]  }
0x9b: {  	v4 =	vadd.f32 v5, v3;
	v3 =	vld [tilespmem:s21+$0x4007];
	v5 =	vadd.f32 v2, v0  }
0x9c: {  	v2 =	vld [tilespmem:s22+$0x500F]  }
0x9d: {  	v0 =	vld [tilespmem:s21+$0x4409];
	v6 =	vadd.f32 v6, v4;
	v9 =	vadd.f32 v1, v5  }
0x9e: {  	s23 =	simm.s32 $0x20;
	v4 =	vld [tilespmem:s21+$0x4208]  }
0x9f: {  	s24 =	simm.s32 $0xC0;
	v1 =	vld [tilespmem:s23+$0x3200];
	v5 =	vadd.f32 v8, v6;
	v6 =	vadd.f32 v7, v9  }
.LBB2_9:
0xa0: {  	p0 =	sne.s32 s24, $0x7C0;
	v7 =	vld [tilespmem:s23+$0x3401]  }
0xa1: {  	v3 =	vadd.f32 v3, v5;
	v5 =	vld [tilespmem:s21+$0x460A];
	v2 =	vadd.f32 v2, v6  }
0xa2: {  	v6 =	vld [tilespmem:s23+$0x3602]  }
0xa3: {  	v3 =	vadd.f32 v4, v3;
	v4 =	vld [tilespmem:s21+$0x480B];
	[tilespmem:s22+$0x5280] =	vst v2;
	s22 =	smov.u32 s21;
	s21 =	smov.u32 s23  }
0xa4: {  	v2 =	vld [tilespmem:s21+$0x3803]  }
0xa5: {  	v1 =	vadd.f32 v7, v1;
	v0 =	vadd.f32 v0, v3;
	v3 =	vld [tilespmem:s22+$0x4A0C]  }
0xa6: {  	v7 =	vld [tilespmem:s21+$0x3A04]  }
0xa7: {  	v1 =	vadd.f32 v6, v1;
	v0 =	vadd.f32 v5, v0;
	v5 =	vld [tilespmem:s22+$0x4C0D]  }
0xa8: {  	v6 =	vld [tilespmem:s21+$0x3C05]  }
0xa9: {  	v1 =	vadd.f32 v2, v1;
	v0 =	vadd.f32 v4, v0;
	v8 =	vld [tilespmem:s22+$0x4E0E]  }
0xaa: {  	v9 =	vld [tilespmem:s21+$0x3E06]  }
.Ltmp5:
0xab: {  	v1 =	vadd.f32 v7, v1;
	v4 =	vadd.f32 v3, v0;
	v2 =	vld [tilespmem:s22+$0x500F];
	(pc) =	sbr.rel @p0 .LBB2_9-.Ltmp5, $4  }
0xac: {  	v3 =	vld [tilespmem:s21+$0x4007]  }
0xad: {  	v6 =	vadd.f32 v6, v1;
	v0 =	vld [tilespmem:s21+$0x4409];
	v7 =	vadd.f32 v5, v4  }
0xae: {  	s23 =	sshra.s32 s24, $0x2;
	v4 =	vld [tilespmem:s21+$0x4208]  }
0xaf: {  	s24 =	sadd.s32 $0x40, s24;
	v1 =	vld [tilespmem:s23+$0x3200];
	v5 =	vadd.f32 v9, v6;
	v6 =	vadd.f32 v8, v7  }
0xb0: {  	v7 =	vld [tilespmem:s23+$0x3401]  }
0xb1: {  	v8 =	vld [tilespmem:s21+$0x460A];
	v2 =	vadd.f32 v2, v6  }
0xb2: {  	v13 =	vld [tilespmem:s23+$0x3602]  }
0xb3: {  	v9 =	vld [tilespmem:s21+$0x480B];
	v3 =	vadd.f32 v3, v5;
	[tilespmem:s22+$0x5280] =	vst v2  }
0xb4: {  	v2 =	vld [tilespmem:s23+$0x3803]  }
0xb5: {  	v3 =	vadd.f32 v4, v3;
	v1 =	vadd.f32 v7, v1  }
0xb6: {  	v14 =	vld [tilespmem:s23+$0x3A04]  }
0xb7: {  	v15 =	vld [tilespmem:s21+$0x4A0C];
	v0 =	vadd.f32 v0, v3;
	v1 =	vadd.f32 v13, v1  }
0xb8: {  	v16 =	vld [tilespmem:s23+$0x3C05]  }
0xb9: {  	v17 =	vld [tilespmem:s21+$0x4C0D];
	v0 =	vadd.f32 v8, v0;
	v1 =	vadd.f32 v2, v1  }
0xba: {  	v18 =	vld [tilespmem:s23+$0x3E06]  }
0xbb: {  	v19 =	vld [tilespmem:s21+$0x4E0E];
	v0 =	vadd.f32 v9, v0;
	v1 =	vadd.f32 v14, v1  }
0xbc: {  	v20 =	vld [tilespmem:s23+$0x4007]  }
0xbd: {  	v21 =	vld [tilespmem:s21+$0x500F];
	v0 =	vadd.f32 v15, v0;
	v1 =	vadd.f32 v16, v1  }
0xbe: {  	v22 =	vld [tilespmem:s23+$0x4208]  }
0xbf: {  	v0 =	vadd.f32 v17, v0;
	v1 =	vadd.f32 v18, v1  }
0xc0: {  	v23 =	vld [tilespmem:s23+$0x4409]  }
0xc1: {  	v0 =	vadd.f32 v19, v0;
	v1 =	vadd.f32 v20, v1  }
0xc2: {  	v24 =	vld [tilespmem:s23+$0x460A]  }
0xc3: {  	v0 =	vadd.f32 v21, v0;
	v1 =	vadd.f32 v22, v1  }
0xc4: {  	v25 =	vld [tilespmem:s23+$0x480B]  }
0xc5: {  	[tilespmem:s21+$0x5280] =	vst v0;
	v26 =	vadd.f32 v23, v1  }
0xc6: {  	v27 =	vld [tilespmem:s23+$0x4A0C]  }
0xc7: {  	v0 =	vadd.f32 v24, v26  }
0xc8: {  	v28 =	vld [tilespmem:s23+$0x4C0D]  }
0xc9: {  	v0 =	vadd.f32 v25, v0  }
0xca: {  	v29 =	vld [tilespmem:s23+$0x4E0E]  }
0xcb: {  	v0 =	vadd.f32 v27, v0  }
0xcc: {  	v30 =	vld [tilespmem:s23+$0x500F]  }
0xcd: {  	v0 =	vadd.f32 v28, v0;
	_ =	sdelay $0x1  }
0xce: {  	v0 =	vadd.f32 v29, v0;
	_ =	sdelay $0x1  }
0xcf: {  	v0 =	vadd.f32 v30, v0;
	_ =	sdelay $0x1  }
0xd0: {  	s21 =	simm.s32 $0x5280;
	[tilespmem:s23+$0x5280] =	vst v0  }
0xd1: {  	[spmem:s20] =	stream.linear.scatter [tilespmem:s21], [sflag:$0x3], $0x200, $0x38;
	[tilespmem:$0x5700] =	vst v63  }
0xd2: {  	s20 =	simm.s32 $0x3  }
0xd3: {  	_ =	swait.ge [sflag:s20], $0x200  }
0xd4: {  	[sflag:s20] =	ssyncset.done $0x0  }
0xd5: {  	[sflag:s20] =	ssyncadd.s32 $0xFFFFFE00  }
0xd6: {  	s25 =	simm.s32 $0x3200;
	[bflag:$0x0] =	sbarrier.arrive $0xFFFF  }
0xd7: {  	[tilespmem:s25], [sflag:$0x1] =	stream.linear.gather [spmem:s18], $0x20, $0x38;
	[tilespmem:$0x5700] =	vst v63  }
0xd8: {  	s26 =	simm.s32 $0x3220  }
0xd9: {  	[tilespmem:s26], [sflag:$0x1] =	stream.linear.gather [spmem:s19], $0x20, $0x38;
	[tilespmem:$0x5700] =	vst v63  }
0xda: {  	s28 =	simm.s32 $0x3240  }
0xdb: {  	[tilespmem:s28], [sflag:$0x1] =	stream.linear.gather [spmem:s17], $0x20, $0x38;
	[tilespmem:$0x5700] =	vst v63  }
0xdc: {  	s29 =	simm.s32 $0x3260  }
0xdd: {  	[tilespmem:s29], [sflag:$0x1] =	stream.linear.gather [spmem:s15], $0x20, $0x38;
	[tilespmem:$0x5700] =	vst v63  }
0xde: {  	s30 =	simm.s32 $0x3280  }
0xdf: {  	[tilespmem:s30], [sflag:$0x1] =	stream.linear.gather [spmem:s16], $0x20, $0x38;
	[tilespmem:$0x5700] =	vst v63  }
0xe0: {  	s31 =	simm.s32 $0x32A0  }
0xe1: {  	[tilespmem:s31], [sflag:$0x1] =	stream.linear.gather [spmem:s14], $0x20, $0x38;
	[tilespmem:$0x5700] =	vst v63  }
0xe2: {  	s16 =	simm.s32 $0x32C0  }
0xe3: {  	[tilespmem:s16], [sflag:$0x1] =	stream.linear.gather [spmem:s12], $0x20, $0x38;
	[tilespmem:$0x5700] =	vst v63  }
0xe4: {  	s17 =	simm.s32 $0x32E0  }
0xe5: {  	[tilespmem:s17], [sflag:$0x1] =	stream.linear.gather [spmem:s13], $0x20, $0x38;
	[tilespmem:$0x5700] =	vst v63  }
0xe6: {  	s18 =	simm.s32 $0x3300  }
0xe7: {  	[tilespmem:s18], [sflag:$0x1] =	stream.linear.gather [spmem:s11], $0x20, $0x38;
	[tilespmem:$0x5700] =	vst v63  }
0xe8: {  	s19 =	simm.s32 $0x3320  }
0xe9: {  	[tilespmem:s19], [sflag:$0x1] =	stream.linear.gather [spmem:s9], $0x20, $0x38;
	[tilespmem:$0x5700] =	vst v63  }
0xea: {  	s22 =	simm.s32 $0x3340  }
0xeb: {  	[tilespmem:s22], [sflag:$0x1] =	stream.linear.gather [spmem:s10], $0x20, $0x38;
	[tilespmem:$0x5700] =	vst v63  }
0xec: {  	s23 =	simm.s32 $0x3360  }
0xed: {  	[tilespmem:s23], [sflag:$0x1] =	stream.linear.gather [spmem:s8], $0x20, $0x38;
	[tilespmem:$0x5700] =	vst v63  }
0xee: {  	s24 =	simm.s32 $0x3380  }
0xef: {  	[tilespmem:s24], [sflag:$0x1] =	stream.linear.gather [spmem:s5], $0x20, $0x38;
	[tilespmem:$0x5700] =	vst v63  }
0xf0: {  	s25 =	simm.s32 $0x33A0  }
0xf1: {  	[tilespmem:s25], [sflag:$0x1] =	stream.linear.gather [spmem:s6], $0x20, $0x38;
	[tilespmem:$0x5700] =	vst v63  }
0xf2: {  	s26 =	simm.s32 $0x33C0  }
0xf3: {  	[tilespmem:s26], [sflag:$0x1] =	stream.linear.gather [spmem:s4], $0x20, $0x38;
	[tilespmem:$0x5700] =	vst v63  }
0xf4: {  	s28 =	simm.s32 $0x33E0  }
0xf5: {  	[tilespmem:s28], [sflag:$0x1] =	stream.linear.gather [spmem:s7], $0x20, $0x38;
	[tilespmem:$0x5700] =	vst v63  }
0xf6: {  	s29 =	simm.s32 $0x0;
	s30 =	simm.s32 $0x5480  }
0xf7: {  	[tilespmem:s30], [sflag:$0x3] =	stream.linear.gather [hbm4b:s3+s29], $0x1, $0x38;
	[tilespmem:$0x5700] =	vst v63  }
0xf8: {  	_ =	swait.ge [sflag:s20], $0x1  }
0xf9: {  	[sflag:s20] =	ssyncset.done $0x0  }
0xfa: {  	s31 =	simm.s32 $0x1;
	[sflag:s20] =	ssyncadd.s32 $0xFFFFFFFF  }
0xfb: {  	_ =	swait.ge [sflag:s31], $0x20  }
0xfc: {  	[sflag:s31] =	ssyncset.done $0x0  }
0xfd: {  	[sflag:s31] =	ssyncadd.s32 $0xFFFFFFE0  }
0xfe: {  	_ =	swait.ge [sflag:s31], $0x20  }
0xff: {  	[sflag:s31] =	ssyncset.done $0x0  }
0x100: {  	[sflag:s31] =	ssyncadd.s32 $0xFFFFFFE0  }
0x101: {  	_ =	swait.ge [sflag:s31], $0x20  }
0x102: {  	[sflag:s31] =	ssyncset.done $0x0  }
0x103: {  	[sflag:s31] =	ssyncadd.s32 $0xFFFFFFE0  }
0x104: {  	_ =	swait.ge [sflag:s31], $0x20  }
0x105: {  	[sflag:s31] =	ssyncset.done $0x0  }
0x106: {  	[sflag:s31] =	ssyncadd.s32 $0xFFFFFFE0  }
0x107: {  	_ =	swait.ge [sflag:s31], $0x20  }
0x108: {  	[sflag:s31] =	ssyncset.done $0x0  }
0x109: {  	[sflag:s31] =	ssyncadd.s32 $0xFFFFFFE0  }
0x10a: {  	_ =	swait.ge [sflag:s31], $0x20  }
0x10b: {  	[sflag:s31] =	ssyncset.done $0x0  }
0x10c: {  	[sflag:s31] =	ssyncadd.s32 $0xFFFFFFE0  }
0x10d: {  	_ =	swait.ge [sflag:s31], $0x20  }
0x10e: {  	[sflag:s31] =	ssyncset.done $0x0  }
0x10f: {  	[sflag:s31] =	ssyncadd.s32 $0xFFFFFFE0  }
0x110: {  	_ =	swait.ge [sflag:s31], $0x20  }
0x111: {  	[sflag:s31] =	ssyncset.done $0x0  }
0x112: {  	[sflag:s31] =	ssyncadd.s32 $0xFFFFFFE0  }
0x113: {  	_ =	swait.ge [sflag:s31], $0x20  }
0x114: {  	[sflag:s31] =	ssyncset.done $0x0  }
0x115: {  	[sflag:s31] =	ssyncadd.s32 $0xFFFFFFE0  }
0x116: {  	_ =	swait.ge [sflag:s31], $0x20  }
0x117: {  	[sflag:s31] =	ssyncset.done $0x0  }
0x118: {  	[sflag:s31] =	ssyncadd.s32 $0xFFFFFFE0  }
0x119: {  	_ =	swait.ge [sflag:s31], $0x20  }
0x11a: {  	[sflag:s31] =	ssyncset.done $0x0  }
0x11b: {  	[sflag:s31] =	ssyncadd.s32 $0xFFFFFFE0  }
0x11c: {  	_ =	swait.ge [sflag:s31], $0x20  }
0x11d: {  	[sflag:s31] =	ssyncset.done $0x0  }
0x11e: {  	[sflag:s31] =	ssyncadd.s32 $0xFFFFFFE0  }
0x11f: {  	_ =	swait.ge [sflag:s31], $0x20  }
0x120: {  	[sflag:s31] =	ssyncset.done $0x0  }
0x121: {  	[sflag:s31] =	ssyncadd.s32 $0xFFFFFFE0  }
0x122: {  	_ =	swait.ge [sflag:s31], $0x20  }
0x123: {  	[sflag:s31] =	ssyncset.done $0x0  }
0x124: {  	[sflag:s31] =	ssyncadd.s32 $0xFFFFFFE0  }
0x125: {  	_ =	swait.ge [sflag:s31], $0x20  }
0x126: {  	[sflag:s31] =	ssyncset.done $0x0  }
0x127: {  	[sflag:s31] =	ssyncadd.s32 $0xFFFFFFE0  }
0x128: {  	_ =	swait.ge [sflag:s31], $0x20  }
0x129: {  	[sflag:s31] =	ssyncset.done $0x0  }
0x12a: {  	[sflag:s31] =	ssyncadd.s32 $0xFFFFFFE0  }
0x12b: {  	v31 =	vld [tilespmem:$0x5480];
	_ =	sdelay $0x3  }
0x12c: {  	v32 =	vld [tilespmem:$0x3200]  }
0x12d: {  	v33 =	vld [tilespmem:$0x3210];
	v0 =	vadd.f32 $0.0e+00, v31  }
0x12e: {  	v34 =	vld [tilespmem:$0x3220]  }
0x12f: {  	v35 =	vld [tilespmem:$0x3230];
	v0 =	vbroadcast v0, $0x0  }
0x130: {  	v36 =	vld [tilespmem:$0x3240]  }
0x131: {  	v37 =	vld [tilespmem:$0x3250];
	v1 =	vadd.f32 v0, v32  }
0x132: {  	v38 =	vld [tilespmem:$0x3260];
	v0 =	vadd.f32 v33, v0  }
0x133: {  	v39 =	vld [tilespmem:$0x3270];
	v1 =	vadd.f32 v1, v34  }
0x134: {  	v40 =	vld [tilespmem:$0x3280];
	v0 =	vadd.f32 v35, v0  }
0x135: {  	v41 =	vld [tilespmem:$0x3290];
	v1 =	vadd.f32 v1, v36  }
0x136: {  	v42 =	vld [tilespmem:$0x32A0];
	v0 =	vadd.f32 v37, v0  }
0x137: {  	v43 =	vld [tilespmem:$0x32B0];
	v1 =	vadd.f32 v1, v38  }
0x138: {  	v44 =	vld [tilespmem:$0x32C0];
	v0 =	vadd.f32 v39, v0  }
0x139: {  	v45 =	vld [tilespmem:$0x32D0];
	v1 =	vadd.f32 v1, v40  }
0x13a: {  	v46 =	vld [tilespmem:$0x32E0];
	v0 =	vadd.f32 v41, v0  }
0x13b: {  	v47 =	vld [tilespmem:$0x32F0];
	v1 =	vadd.f32 v1, v42  }
0x13c: {  	v48 =	vld [tilespmem:$0x3300];
	v0 =	vadd.f32 v43, v0  }
0x13d: {  	v49 =	vld [tilespmem:$0x3310];
	v1 =	vadd.f32 v1, v44  }
0x13e: {  	v50 =	vld [tilespmem:$0x3320];
	v0 =	vadd.f32 v45, v0  }
0x13f: {  	v51 =	vld [tilespmem:$0x3330];
	v1 =	vadd.f32 v1, v46  }
0x140: {  	v52 =	vld [tilespmem:$0x3340];
	v0 =	vadd.f32 v47, v0  }
0x141: {  	v53 =	vld [tilespmem:$0x3350];
	v1 =	vadd.f32 v1, v48  }
0x142: {  	v54 =	vld [tilespmem:$0x3360];
	v0 =	vadd.f32 v49, v0  }
0x143: {  	v55 =	vld [tilespmem:$0x3370];
	v1 =	vadd.f32 v1, v50  }
0x144: {  	v56 =	vld [tilespmem:$0x3380];
	v0 =	vadd.f32 v51, v0  }
0x145: {  	v57 =	vld [tilespmem:$0x3390];
	v1 =	vadd.f32 v1, v52  }
0x146: {  	v58 =	vld [tilespmem:$0x33A0];
	v0 =	vadd.f32 v53, v0  }
0x147: {  	v59 =	vld [tilespmem:$0x33B0];
	v1 =	vadd.f32 v1, v54  }
0x148: {  	v60 =	vld [tilespmem:$0x33C0];
	v0 =	vadd.f32 v55, v0  }
0x149: {  	v61 =	vld [tilespmem:$0x33D0];
	v1 =	vadd.f32 v1, v56  }
0x14a: {  	v62 =	vld [tilespmem:$0x33E0];
	v0 =	vadd.f32 v57, v0  }
0x14b: {  	v63 =	vld [tilespmem:$0x33F0];
	v1 =	vadd.f32 v1, v58  }
0x14c: {  	v0 =	vadd.f32 v59, v0  }
0x14d: {  	v1 =	vadd.f32 v1, v60  }
0x14e: {  	v0 =	vadd.f32 v61, v0  }
0x14f: {  	v1 =	vadd.f32 v1, v62  }
0x150: {  	v0 =	vadd.f32 v63, v0  }
0x151: {  	[tilespmem:$0x5280] =	vst v1  }
0x152: {  	[tilespmem:$0x5290] =	vst v0  }
0x153: {  	[hbm4b:s2+s29] =	stream.linear.scatter [tilespmem:s21], [sflag:$0x3], $0x20, $0x38;
	[tilespmem:$0x5700] =	vst v63  }
0x154: {  	_ =	swait.ge [sflag:s20], $0x20  }
0x155: {  	[sflag:s20] =	ssyncset.done $0x0  }
0x156: {  	[sflag:s20] =	ssyncadd.s32 $0xFFFFFFE0  }
0x157: {  	_ =	sfence.sel $0x180000  }
0x158: {  	[bflag:$0x0] =	sbarrier.arrive $0xFFFF  }
0x159: {  	p0 =	sne.s32 s1, $0x0;
	_ =	strace $0x90000047  }
0x15a: {  	s0 =	sadd.s32 @!p0 $0x100000, s0;
	[bflag:$0x2] =	sbarrier.arrive $0xFFFF  }
0x15b: {  	[sflag:s0] =	ssyncadd.tile.s32 @!p0 $0x1;
	_ =	shalt  }
.Lfunc_end2:
_tile_overlayer_lowered:
.L_overlay_start_2:
0x15c: {  	(tag) =	ssettag $0x2  }
0x15d: {  	s0 =	rddreg [dreg:$0x0];
	s2 =	stileid.u32  }
0x15e: {  	s1 =	rddreg [dreg:$0x1];
	p0 =	sne.s32 s2, $0x0  }
0x15f: {  	s3 =	rddreg [dreg:$0x2];
	[bflag:$0x3] =	sbarrier.arrive $0xFFFF;
	s2 =	simm.s32 @!p0 $0x1C03  }
0x160: {  	[timem:s3], [sflag:s2] =	dma.local @!p0 [hbm:s0], s1  }
0x161: {  	s0 =	simm.s32 @!p0 $0x3  }
0x162: {  	_ =	swait.ge @!p0 [sflag:s0], s1  }
0x163: {  	s1 =	ssub.s32 @!p0 $0x0, s1;
	[sflag:s0] =	ssyncset.done @!p0 $0x0  }
0x164: {  	[sflag:s0] =	ssyncadd.s32 @!p0 s1  }
0x165: {  	[bflag:$0x3] =	sbarrier.arrive $0xFFFF  }
0x166: {  	_ =	shalt  }

</sc_bundles>
